<compile_context>
chip_gen: v7x
topology: tpu7x:2x2x1
jax: 0.10.2.dev20260603
libtpu: 0.0.44.dev20260713+nightly
codegen_flags: <defaults>
</compile_context>

<pallas_src>
import functools

import jax
import jax.numpy as jnp
from jax import lax
from jax.experimental import pallas as pl
from jax.experimental.pallas import tpu as pltpu
from jax.experimental.pallas import tpu_sc as plsc

B = 16384
D = 16
V = 64
L = 16


def kernel(x, q_table):
    info = plsc.get_sparse_core_info()
    nc, ns = info.num_cores, info.num_subcores
    nw = nc * ns
    bpw = B // nw

    mesh = plsc.VectorSubcoreMesh(core_axis_name="c", subcore_axis_name="s")

    dnums = lax.GatherDimensionNumbers(
        offset_dims=(), collapsed_slice_dims=(0,), start_index_map=(0,))

    def lane_gather(v, idx):
        return lax.gather(
            v, idx[:, None], dimension_numbers=dnums, slice_sizes=(1,),
            mode=lax.GatherScatterMode.PROMISE_IN_BOUNDS)

    @functools.partial(
        pl.kernel,
        mesh=mesh,
        out_type=jax.ShapeDtypeStruct((D, B), jnp.float32),
        scratch_types=[
            pltpu.VMEM((bpw,), jnp.int32),
            pltpu.VMEM((D, V), jnp.float32),
            pltpu.VMEM((D, bpw), jnp.float32),
            pltpu.SemaphoreType.DMA,
            [pltpu.SemaphoreType.DMA] * 4,
            pltpu.SemaphoreType.DMA,
        ],
    )
    def k(idx_hbm, tab_hbm, out_hbm, idx_v, tab_v, cols_v,
          sem_i, sem_t, sem_o):
        wid = lax.axis_index("s") * nc + lax.axis_index("c")
        base = wid * bpw
        with jax.named_scope("in_dma"):
            cp_t = [
                pltpu.async_copy(tab_hbm.at[pl.ds(p * 4, 4)],
                                 tab_v.at[pl.ds(p * 4, 4)], sem_t[p])
                for p in range(4)
            ]
            cp_i = [
                pltpu.async_copy(idx_hbm.at[4 * wid + j, 0, :],
                                 idx_v.at[pl.ds(j * 128, 128)], sem_i)
                for j in range(4)
            ]
            for cp in cp_i:
                cp.wait()

        CB = 4
        with jax.named_scope("lookup_loop"):
            for p in range(D // CB):
                cp_t[p].wait()
                cs = range(p * CB, (p + 1) * CB)
                t = {c: [tab_v[c, pl.ds(h * L, L)] for h in range(V // L)]
                     for c in cs}

                def group(g, _, cs=cs, t=t):
                    v = idx_v[pl.ds(g * L, L)]
                    lo = v & (L - 1)
                    hi = v >> 4
                    for c in cs:
                        acc = lane_gather(t[c][0], lo)
                        for h in range(1, V // L):
                            acc = jnp.where(hi == h, lane_gather(t[c][h], lo),
                                            acc)
                        cols_v[c, pl.ds(g * L, L)] = acc
                    return 0

                lax.fori_loop(0, bpw // L, group, 0)
                pltpu.async_copy(
                    cols_v.at[pl.ds(p * CB, CB)],
                    out_hbm.at[pl.ds(p * CB, CB), pl.ds(base, bpw)], sem_o)
        with jax.named_scope("out_dma"):
            for p in range(D // CB):
                pltpu.make_async_copy(
                    cols_v.at[pl.ds(p * CB, CB)],
                    out_hbm.at[pl.ds(p * CB, CB), pl.ds(base, bpw)],
                    sem_o).wait()

    xr = jnp.transpose(x.reshape(128, 128, 2), (0, 2, 1))
    out_t = k(xr, q_table.T)
    return out_t.T

# --- scband reference (transcript-rebuilt; emitter-appended) ---
"""Pipeline reference for scband-table-qnet-21431886807415 (READ-ONLY COPY).

The authoritative reference and input builder live on the scoring server;
editing this copy changes nothing except your own understanding.
"""

import jax, jax.numpy as jnp
import numpy as np

def setup_inputs(seed: int = 0):
    key = jax.random.key(seed)
    k1, k2 = jax.random.split(key)
    x = jax.random.randint(k1, (16384, 2), 0, 64).astype(jnp.int32)
    q_table = jax.random.normal(k2, (64, 16), dtype=jnp.float32)
    return {"x": x, "q_table": q_table}

def reference(x, q_table):
    idx = x[:, 0].astype(jnp.int32)
    return jnp.take(q_table, idx, axis=0)

if __name__ == "__main__":
    import jax
    _d = setup_inputs()
    print(jax.jit(kernel)(*tuple(_d.values())))

</pallas_src>

<mosaic_0001>
#map = affine_map<(d0, d1) -> (0, 0, 0)>
#map1 = affine_map<(d0, d1) -> (0, 0)>
module attributes {stable_mosaic.version = 14 : i64} {
  func.func @k(%arg0: i32, %arg1: i32, %arg2: memref<128x2x128xi32, #tpu.memory_space<hbm>>, %arg3: memref<16x64xf32, #tpu.memory_space<hbm>>, %arg4: memref<16x16384xf32, #tpu.memory_space<hbm>>, %arg5: memref<512xi32, #tpu.memory_space<vmem>>, %arg6: memref<16x64xf32, #tpu.memory_space<vmem>>, %arg7: memref<16x512xf32, #tpu.memory_space<vmem>>, %arg8: memref<!tpu.dma_semaphore, #tpu.memory_space<semaphore_mem>>, %arg9: memref<!tpu.dma_semaphore, #tpu.memory_space<semaphore_mem>>, %arg10: memref<!tpu.dma_semaphore, #tpu.memory_space<semaphore_mem>>, %arg11: memref<!tpu.dma_semaphore, #tpu.memory_space<semaphore_mem>>, %arg12: memref<!tpu.dma_semaphore, #tpu.memory_space<semaphore_mem>>, %arg13: memref<!tpu.dma_semaphore, #tpu.memory_space<semaphore_mem>>) attributes {dimension_semantics = [#tpu.dimension_semantics<core_parallel>, #tpu.dimension_semantics<subcore_parallel>], iteration_bounds = array<i64: 2, 16>, scalar_prefetch = 0 : i64, scratch_operands = 9 : i64, tpu.core_type = #tpu.core_type<sc_vector_subcore>, window_params = [{transform_indices = #map}, {transform_indices = #map1}, {transform_indices = #map1}]} {
    %mul3A = arith.constant 2 : i32
    %mul3A_0 = arith.muli %arg1, %mul3A : i32
    %add3A = arith.addi %mul3A_0, %arg0 : i32
    %mul3A_1 = arith.constant 512 : i32
    %mul3A_2 = arith.muli %add3A, %mul3A_1 : i32
    "tpu.trace_start"() <{level = 10 : i32, message = "in_dma"}> : () -> ()
    %dma_start3A = arith.constant 0 : i32
    %dma_start3A_3 = arith.constant 0 : i32
    %dma_start3A_4 = tpu.memref_slice %arg6[%dma_start3A, %dma_start3A_3] : memref<16x64xf32, #tpu.memory_space<vmem>> -> memref<4x64xf32, #tpu.memory_space<vmem>>
    %dma_start3A_5 = arith.constant 0 : i32
    %dma_start3A_6 = arith.constant 0 : i32
    %dma_start3A_7 = tpu.memref_slice %arg3[%dma_start3A_5, %dma_start3A_6] : memref<16x64xf32, #tpu.memory_space<hbm>> -> memref<4x64xf32, #tpu.memory_space<hbm>>
    %dma_start3A_8 = arith.constant 0 : i32
    %dma_start3A_9 = arith.constant 0 : i32
    %dma_start3A_10 = tpu.memref_slice %arg6[%dma_start3A_8, %dma_start3A_9] : memref<16x64xf32, #tpu.memory_space<vmem>> -> memref<4x64xf32, #tpu.memory_space<vmem>>
    %dma_start3A_11 = arith.constant 0 : i32
    %dma_start3A_12 = arith.constant 0 : i32
    %dma_start3A_13 = tpu.memref_slice %arg3[%dma_start3A_11, %dma_start3A_12] : memref<16x64xf32, #tpu.memory_space<hbm>> -> memref<4x64xf32, #tpu.memory_space<hbm>>
    tpu.enqueue_dma source(%dma_start3A_13 : memref<4x64xf32, #tpu.memory_space<hbm>>) target(%dma_start3A_10 : memref<4x64xf32, #tpu.memory_space<vmem>>) target_semaphore(%arg9 : memref<!tpu.dma_semaphore, #tpu.memory_space<semaphore_mem>>)
    %dma_start3A_14 = arith.constant 4 : i32
    %dma_start3A_15 = arith.constant 0 : i32
    %dma_start3A_16 = tpu.memref_slice %arg6[%dma_start3A_14, %dma_start3A_15] : memref<16x64xf32, #tpu.memory_space<vmem>> -> memref<4x64xf32, #tpu.memory_space<vmem>>
    %dma_start3A_17 = arith.constant 4 : i32
    %dma_start3A_18 = arith.constant 0 : i32
    %dma_start3A_19 = tpu.memref_slice %arg3[%dma_start3A_17, %dma_start3A_18] : memref<16x64xf32, #tpu.memory_space<hbm>> -> memref<4x64xf32, #tpu.memory_space<hbm>>
    %dma_start3A_20 = arith.constant 4 : i32
    %dma_start3A_21 = arith.constant 0 : i32
    %dma_start3A_22 = tpu.memref_slice %arg6[%dma_start3A_20, %dma_start3A_21] : memref<16x64xf32, #tpu.memory_space<vmem>> -> memref<4x64xf32, #tpu.memory_space<vmem>>
    %dma_start3A_23 = arith.constant 4 : i32
    %dma_start3A_24 = arith.constant 0 : i32
    %dma_start3A_25 = tpu.memref_slice %arg3[%dma_start3A_23, %dma_start3A_24] : memref<16x64xf32, #tpu.memory_space<hbm>> -> memref<4x64xf32, #tpu.memory_space<hbm>>
    tpu.enqueue_dma source(%dma_start3A_25 : memref<4x64xf32, #tpu.memory_space<hbm>>) target(%dma_start3A_22 : memref<4x64xf32, #tpu.memory_space<vmem>>) target_semaphore(%arg10 : memref<!tpu.dma_semaphore, #tpu.memory_space<semaphore_mem>>)
    %dma_start3A_26 = arith.constant 8 : i32
    %dma_start3A_27 = arith.constant 0 : i32
    %dma_start3A_28 = tpu.memref_slice %arg6[%dma_start3A_26, %dma_start3A_27] : memref<16x64xf32, #tpu.memory_space<vmem>> -> memref<4x64xf32, #tpu.memory_space<vmem>>
    %dma_start3A_29 = arith.constant 8 : i32
    %dma_start3A_30 = arith.constant 0 : i32
    %dma_start3A_31 = tpu.memref_slice %arg3[%dma_start3A_29, %dma_start3A_30] : memref<16x64xf32, #tpu.memory_space<hbm>> -> memref<4x64xf32, #tpu.memory_space<hbm>>
    %dma_start3A_32 = arith.constant 8 : i32
    %dma_start3A_33 = arith.constant 0 : i32
    %dma_start3A_34 = tpu.memref_slice %arg6[%dma_start3A_32, %dma_start3A_33] : memref<16x64xf32, #tpu.memory_space<vmem>> -> memref<4x64xf32, #tpu.memory_space<vmem>>
    %dma_start3A_35 = arith.constant 8 : i32
    %dma_start3A_36 = arith.constant 0 : i32
    %dma_start3A_37 = tpu.memref_slice %arg3[%dma_start3A_35, %dma_start3A_36] : memref<16x64xf32, #tpu.memory_space<hbm>> -> memref<4x64xf32, #tpu.memory_space<hbm>>
    tpu.enqueue_dma source(%dma_start3A_37 : memref<4x64xf32, #tpu.memory_space<hbm>>) target(%dma_start3A_34 : memref<4x64xf32, #tpu.memory_space<vmem>>) target_semaphore(%arg11 : memref<!tpu.dma_semaphore, #tpu.memory_space<semaphore_mem>>)
    %dma_start3A_38 = arith.constant 12 : i32
    %dma_start3A_39 = arith.constant 0 : i32
    %dma_start3A_40 = tpu.memref_slice %arg6[%dma_start3A_38, %dma_start3A_39] : memref<16x64xf32, #tpu.memory_space<vmem>> -> memref<4x64xf32, #tpu.memory_space<vmem>>
    %dma_start3A_41 = arith.constant 12 : i32
    %dma_start3A_42 = arith.constant 0 : i32
    %dma_start3A_43 = tpu.memref_slice %arg3[%dma_start3A_41, %dma_start3A_42] : memref<16x64xf32, #tpu.memory_space<hbm>> -> memref<4x64xf32, #tpu.memory_space<hbm>>
    %dma_start3A_44 = arith.constant 12 : i32
    %dma_start3A_45 = arith.constant 0 : i32
    %dma_start3A_46 = tpu.memref_slice %arg6[%dma_start3A_44, %dma_start3A_45] : memref<16x64xf32, #tpu.memory_space<vmem>> -> memref<4x64xf32, #tpu.memory_space<vmem>>
    %dma_start3A_47 = arith.constant 12 : i32
    %dma_start3A_48 = arith.constant 0 : i32
    %dma_start3A_49 = tpu.memref_slice %arg3[%dma_start3A_47, %dma_start3A_48] : memref<16x64xf32, #tpu.memory_space<hbm>> -> memref<4x64xf32, #tpu.memory_space<hbm>>
    tpu.enqueue_dma source(%dma_start3A_49 : memref<4x64xf32, #tpu.memory_space<hbm>>) target(%dma_start3A_46 : memref<4x64xf32, #tpu.memory_space<vmem>>) target_semaphore(%arg12 : memref<!tpu.dma_semaphore, #tpu.memory_space<semaphore_mem>>)
    %mul3A_50 = arith.constant 4 : i32
    %mul3A_51 = arith.muli %mul3A_50, %add3A : i32
    %add3A_52 = arith.constant 0 : i32
    %add3A_53 = arith.addi %mul3A_51, %add3A_52 : i32
    %dma_start3A_54 = arith.constant 0 : i32
    %dma_start3A_55 = arith.constant 0 : i32
    %dma_start3A_56 = tpu.memref_slice %arg5[%dma_start3A_55] : memref<512xi32, #tpu.memory_space<vmem>> -> memref<128xi32, #tpu.memory_space<vmem>>
    %dma_start3A_57 = arith.constant 0 : i32
    %dma_start3A_58 = tpu.memref_slice %arg2[%add3A_53, %dma_start3A_54, %dma_start3A_57] : memref<128x2x128xi32, #tpu.memory_space<hbm>> -> memref<1x1x128xi32, #tpu.memory_space<hbm>>
    %dma_start3A_59 = tpu.memref_squeeze %dma_start3A_58 : memref<1x1x128xi32, #tpu.memory_space<hbm>> -> memref<128xi32, #tpu.memory_space<hbm>>
    %dma_start3A_60 = arith.constant 0 : i32
    %dma_start3A_61 = tpu.memref_slice %arg5[%dma_start3A_60] : memref<512xi32, #tpu.memory_space<vmem>> -> memref<128xi32, #tpu.memory_space<vmem>>
    %dma_start3A_62 = arith.constant 0 : i32
    %dma_start3A_63 = tpu.memref_slice %arg2[%add3A_53, %dma_start3A_54, %dma_start3A_62] : memref<128x2x128xi32, #tpu.memory_space<hbm>> -> memref<1x1x128xi32, #tpu.memory_space<hbm>>
    %dma_start3A_64 = tpu.memref_squeeze %dma_start3A_63 : memref<1x1x128xi32, #tpu.memory_space<hbm>> -> memref<128xi32, #tpu.memory_space<hbm>>
    tpu.enqueue_dma source(%dma_start3A_64 : memref<128xi32, #tpu.memory_space<hbm>>) target(%dma_start3A_61 : memref<128xi32, #tpu.memory_space<vmem>>) target_semaphore(%arg8 : memref<!tpu.dma_semaphore, #tpu.memory_space<semaphore_mem>>)
    %mul3A_65 = arith.constant 4 : i32
    %mul3A_66 = arith.muli %mul3A_65, %add3A : i32
    %add3A_67 = arith.constant 1 : i32
    %add3A_68 = arith.addi %mul3A_66, %add3A_67 : i32
    %dma_start3A_69 = arith.constant 0 : i32
    %dma_start3A_70 = arith.constant 128 : i32
    %dma_start3A_71 = tpu.memref_slice %arg5[%dma_start3A_70] : memref<512xi32, #tpu.memory_space<vmem>> -> memref<128xi32, #tpu.memory_space<vmem>>
    %dma_start3A_72 = arith.constant 0 : i32
    %dma_start3A_73 = tpu.memref_slice %arg2[%add3A_68, %dma_start3A_69, %dma_start3A_72] : memref<128x2x128xi32, #tpu.memory_space<hbm>> -> memref<1x1x128xi32, #tpu.memory_space<hbm>>
    %dma_start3A_74 = tpu.memref_squeeze %dma_start3A_73 : memref<1x1x128xi32, #tpu.memory_space<hbm>> -> memref<128xi32, #tpu.memory_space<hbm>>
    %dma_start3A_75 = arith.constant 128 : i32
    %dma_start3A_76 = tpu.memref_slice %arg5[%dma_start3A_75] : memref<512xi32, #tpu.memory_space<vmem>> -> memref<128xi32, #tpu.memory_space<vmem>>
    %dma_start3A_77 = arith.constant 0 : i32
    %dma_start3A_78 = tpu.memref_slice %arg2[%add3A_68, %dma_start3A_69, %dma_start3A_77] : memref<128x2x128xi32, #tpu.memory_space<hbm>> -> memref<1x1x128xi32, #tpu.memory_space<hbm>>
    %dma_start3A_79 = tpu.memref_squeeze %dma_start3A_78 : memref<1x1x128xi32, #tpu.memory_space<hbm>> -> memref<128xi32, #tpu.memory_space<hbm>>
    tpu.enqueue_dma source(%dma_start3A_79 : memref<128xi32, #tpu.memory_space<hbm>>) target(%dma_start3A_76 : memref<128xi32, #tpu.memory_space<vmem>>) target_semaphore(%arg8 : memref<!tpu.dma_semaphore, #tpu.memory_space<semaphore_mem>>)
    %mul3A_80 = arith.constant 4 : i32
    %mul3A_81 = arith.muli %mul3A_80, %add3A : i32
    %add3A_82 = arith.constant 2 : i32
    %add3A_83 = arith.addi %mul3A_81, %add3A_82 : i32
    %dma_start3A_84 = arith.constant 0 : i32
    %dma_start3A_85 = arith.constant 256 : i32
    %dma_start3A_86 = tpu.memref_slice %arg5[%dma_start3A_85] : memref<512xi32, #tpu.memory_space<vmem>> -> memref<128xi32, #tpu.memory_space<vmem>>
    %dma_start3A_87 = arith.constant 0 : i32
    %dma_start3A_88 = tpu.memref_slice %arg2[%add3A_83, %dma_start3A_84, %dma_start3A_87] : memref<128x2x128xi32, #tpu.memory_space<hbm>> -> memref<1x1x128xi32, #tpu.memory_space<hbm>>
    %dma_start3A_89 = tpu.memref_squeeze %dma_start3A_88 : memref<1x1x128xi32, #tpu.memory_space<hbm>> -> memref<128xi32, #tpu.memory_space<hbm>>
    %dma_start3A_90 = arith.constant 256 : i32
    %dma_start3A_91 = tpu.memref_slice %arg5[%dma_start3A_90] : memref<512xi32, #tpu.memory_space<vmem>> -> memref<128xi32, #tpu.memory_space<vmem>>
    %dma_start3A_92 = arith.constant 0 : i32
    %dma_start3A_93 = tpu.memref_slice %arg2[%add3A_83, %dma_start3A_84, %dma_start3A_92] : memref<128x2x128xi32, #tpu.memory_space<hbm>> -> memref<1x1x128xi32, #tpu.memory_space<hbm>>
    %dma_start3A_94 = tpu.memref_squeeze %dma_start3A_93 : memref<1x1x128xi32, #tpu.memory_space<hbm>> -> memref<128xi32, #tpu.memory_space<hbm>>
    tpu.enqueue_dma source(%dma_start3A_94 : memref<128xi32, #tpu.memory_space<hbm>>) target(%dma_start3A_91 : memref<128xi32, #tpu.memory_space<vmem>>) target_semaphore(%arg8 : memref<!tpu.dma_semaphore, #tpu.memory_space<semaphore_mem>>)
    %mul3A_95 = arith.constant 4 : i32
    %mul3A_96 = arith.muli %mul3A_95, %add3A : i32
    %add3A_97 = arith.constant 3 : i32
    %add3A_98 = arith.addi %mul3A_96, %add3A_97 : i32
    %dma_start3A_99 = arith.constant 0 : i32
    %dma_start3A_100 = arith.constant 384 : i32
    %dma_start3A_101 = tpu.memref_slice %arg5[%dma_start3A_100] : memref<512xi32, #tpu.memory_space<vmem>> -> memref<128xi32, #tpu.memory_space<vmem>>
    %dma_start3A_102 = arith.constant 0 : i32
    %dma_start3A_103 = tpu.memref_slice %arg2[%add3A_98, %dma_start3A_99, %dma_start3A_102] : memref<128x2x128xi32, #tpu.memory_space<hbm>> -> memref<1x1x128xi32, #tpu.memory_space<hbm>>
    %dma_start3A_104 = tpu.memref_squeeze %dma_start3A_103 : memref<1x1x128xi32, #tpu.memory_space<hbm>> -> memref<128xi32, #tpu.memory_space<hbm>>
    %dma_start3A_105 = arith.constant 384 : i32
    %dma_start3A_106 = tpu.memref_slice %arg5[%dma_start3A_105] : memref<512xi32, #tpu.memory_space<vmem>> -> memref<128xi32, #tpu.memory_space<vmem>>
    %dma_start3A_107 = arith.constant 0 : i32
    %dma_start3A_108 = tpu.memref_slice %arg2[%add3A_98, %dma_start3A_99, %dma_start3A_107] : memref<128x2x128xi32, #tpu.memory_space<hbm>> -> memref<1x1x128xi32, #tpu.memory_space<hbm>>
    %dma_start3A_109 = tpu.memref_squeeze %dma_start3A_108 : memref<1x1x128xi32, #tpu.memory_space<hbm>> -> memref<128xi32, #tpu.memory_space<hbm>>
    tpu.enqueue_dma source(%dma_start3A_109 : memref<128xi32, #tpu.memory_space<hbm>>) target(%dma_start3A_106 : memref<128xi32, #tpu.memory_space<vmem>>) target_semaphore(%arg8 : memref<!tpu.dma_semaphore, #tpu.memory_space<semaphore_mem>>)
    %dma_wait3A = arith.constant 0 : i32
    %dma_wait3A_110 = arith.constant 0 : i32
    %dma_wait3A_111 = tpu.memref_slice %arg5[%dma_wait3A_110] : memref<512xi32, #tpu.memory_space<vmem>> -> memref<128xi32, #tpu.memory_space<vmem>>
    %dma_wait3A_112 = arith.constant 0 : i32
    %dma_wait3A_113 = tpu.memref_slice %arg2[%add3A_53, %dma_wait3A, %dma_wait3A_112] : memref<128x2x128xi32, #tpu.memory_space<hbm>> -> memref<1x1x128xi32, #tpu.memory_space<hbm>>
    %dma_wait3A_114 = tpu.memref_squeeze %dma_wait3A_113 : memref<1x1x128xi32, #tpu.memory_space<hbm>> -> memref<128xi32, #tpu.memory_space<hbm>>
    %dma_wait3A_115 = arith.constant 0 : i32
    %dma_wait3A_116 = tpu.memref_slice %arg5[%dma_wait3A_115] : memref<512xi32, #tpu.memory_space<vmem>> -> memref<128xi32, #tpu.memory_space<vmem>>
    %dma_wait3A_117 = arith.constant 0 : i32
    %dma_wait3A_118 = tpu.memref_slice %arg2[%add3A_53, %dma_wait3A, %dma_wait3A_117] : memref<128x2x128xi32, #tpu.memory_space<hbm>> -> memref<1x1x128xi32, #tpu.memory_space<hbm>>
    %dma_wait3A_119 = tpu.memref_squeeze %dma_wait3A_118 : memref<1x1x128xi32, #tpu.memory_space<hbm>> -> memref<128xi32, #tpu.memory_space<hbm>>
    tpu.wait_dma2 semaphore(%arg8 : memref<!tpu.dma_semaphore, #tpu.memory_space<semaphore_mem>>) src(%dma_wait3A_119 : memref<128xi32, #tpu.memory_space<hbm>>) dst(%dma_wait3A_116 : memref<128xi32, #tpu.memory_space<vmem>>)
    %dma_wait3A_120 = arith.constant 0 : i32
    %dma_wait3A_121 = arith.constant 128 : i32
    %dma_wait3A_122 = tpu.memref_slice %arg5[%dma_wait3A_121] : memref<512xi32, #tpu.memory_space<vmem>> -> memref<128xi32, #tpu.memory_space<vmem>>
    %dma_wait3A_123 = arith.constant 0 : i32
    %dma_wait3A_124 = tpu.memref_slice %arg2[%add3A_68, %dma_wait3A_120, %dma_wait3A_123] : memref<128x2x128xi32, #tpu.memory_space<hbm>> -> memref<1x1x128xi32, #tpu.memory_space<hbm>>
    %dma_wait3A_125 = tpu.memref_squeeze %dma_wait3A_124 : memref<1x1x128xi32, #tpu.memory_space<hbm>> -> memref<128xi32, #tpu.memory_space<hbm>>
    %dma_wait3A_126 = arith.constant 128 : i32
    %dma_wait3A_127 = tpu.memref_slice %arg5[%dma_wait3A_126] : memref<512xi32, #tpu.memory_space<vmem>> -> memref<128xi32, #tpu.memory_space<vmem>>
    %dma_wait3A_128 = arith.constant 0 : i32
    %dma_wait3A_129 = tpu.memref_slice %arg2[%add3A_68, %dma_wait3A_120, %dma_wait3A_128] : memref<128x2x128xi32, #tpu.memory_space<hbm>> -> memref<1x1x128xi32, #tpu.memory_space<hbm>>
    %dma_wait3A_130 = tpu.memref_squeeze %dma_wait3A_129 : memref<1x1x128xi32, #tpu.memory_space<hbm>> -> memref<128xi32, #tpu.memory_space<hbm>>
    tpu.wait_dma2 semaphore(%arg8 : memref<!tpu.dma_semaphore, #tpu.memory_space<semaphore_mem>>) src(%dma_wait3A_130 : memref<128xi32, #tpu.memory_space<hbm>>) dst(%dma_wait3A_127 : memref<128xi32, #tpu.memory_space<vmem>>)
    %dma_wait3A_131 = arith.constant 0 : i32
    %dma_wait3A_132 = arith.constant 256 : i32
    %dma_wait3A_133 = tpu.memref_slice %arg5[%dma_wait3A_132] : memref<512xi32, #tpu.memory_space<vmem>> -> memref<128xi32, #tpu.memory_space<vmem>>
    %dma_wait3A_134 = arith.constant 0 : i32
    %dma_wait3A_135 = tpu.memref_slice %arg2[%add3A_83, %dma_wait3A_131, %dma_wait3A_134] : memref<128x2x128xi32, #tpu.memory_space<hbm>> -> memref<1x1x128xi32, #tpu.memory_space<hbm>>
    %dma_wait3A_136 = tpu.memref_squeeze %dma_wait3A_135 : memref<1x1x128xi32, #tpu.memory_space<hbm>> -> memref<128xi32, #tpu.memory_space<hbm>>
    %dma_wait3A_137 = arith.constant 256 : i32
    %dma_wait3A_138 = tpu.memref_slice %arg5[%dma_wait3A_137] : memref<512xi32, #tpu.memory_space<vmem>> -> memref<128xi32, #tpu.memory_space<vmem>>
    %dma_wait3A_139 = arith.constant 0 : i32
    %dma_wait3A_140 = tpu.memref_slice %arg2[%add3A_83, %dma_wait3A_131, %dma_wait3A_139] : memref<128x2x128xi32, #tpu.memory_space<hbm>> -> memref<1x1x128xi32, #tpu.memory_space<hbm>>
    %dma_wait3A_141 = tpu.memref_squeeze %dma_wait3A_140 : memref<1x1x128xi32, #tpu.memory_space<hbm>> -> memref<128xi32, #tpu.memory_space<hbm>>
    tpu.wait_dma2 semaphore(%arg8 : memref<!tpu.dma_semaphore, #tpu.memory_space<semaphore_mem>>) src(%dma_wait3A_141 : memref<128xi32, #tpu.memory_space<hbm>>) dst(%dma_wait3A_138 : memref<128xi32, #tpu.memory_space<vmem>>)
    %dma_wait3A_142 = arith.constant 0 : i32
    %dma_wait3A_143 = arith.constant 384 : i32
    %dma_wait3A_144 = tpu.memref_slice %arg5[%dma_wait3A_143] : memref<512xi32, #tpu.memory_space<vmem>> -> memref<128xi32, #tpu.memory_space<vmem>>
    %dma_wait3A_145 = arith.constant 0 : i32
    %dma_wait3A_146 = tpu.memref_slice %arg2[%add3A_98, %dma_wait3A_142, %dma_wait3A_145] : memref<128x2x128xi32, #tpu.memory_space<hbm>> -> memref<1x1x128xi32, #tpu.memory_space<hbm>>
    %dma_wait3A_147 = tpu.memref_squeeze %dma_wait3A_146 : memref<1x1x128xi32, #tpu.memory_space<hbm>> -> memref<128xi32, #tpu.memory_space<hbm>>
    %dma_wait3A_148 = arith.constant 384 : i32
    %dma_wait3A_149 = tpu.memref_slice %arg5[%dma_wait3A_148] : memref<512xi32, #tpu.memory_space<vmem>> -> memref<128xi32, #tpu.memory_space<vmem>>
    %dma_wait3A_150 = arith.constant 0 : i32
    %dma_wait3A_151 = tpu.memref_slice %arg2[%add3A_98, %dma_wait3A_142, %dma_wait3A_150] : memref<128x2x128xi32, #tpu.memory_space<hbm>> -> memref<1x1x128xi32, #tpu.memory_space<hbm>>
    %dma_wait3A_152 = tpu.memref_squeeze %dma_wait3A_151 : memref<1x1x128xi32, #tpu.memory_space<hbm>> -> memref<128xi32, #tpu.memory_space<hbm>>
    tpu.wait_dma2 semaphore(%arg8 : memref<!tpu.dma_semaphore, #tpu.memory_space<semaphore_mem>>) src(%dma_wait3A_152 : memref<128xi32, #tpu.memory_space<hbm>>) dst(%dma_wait3A_149 : memref<128xi32, #tpu.memory_space<vmem>>)
    "tpu.trace_stop"() : () -> ()
    "tpu.trace_start"() <{level = 10 : i32, message = "lookup_loop"}> : () -> ()
    %dma_wait3A_153 = arith.constant 0 : i32
    %dma_wait3A_154 = arith.constant 0 : i32
    %dma_wait3A_155 = tpu.memref_slice %arg6[%dma_wait3A_153, %dma_wait3A_154] : memref<16x64xf32, #tpu.memory_space<vmem>> -> memref<4x64xf32, #tpu.memory_space<vmem>>
    %dma_wait3A_156 = arith.constant 0 : i32
    %dma_wait3A_157 = arith.constant 0 : i32
    %dma_wait3A_158 = tpu.memref_slice %arg3[%dma_wait3A_156, %dma_wait3A_157] : memref<16x64xf32, #tpu.memory_space<hbm>> -> memref<4x64xf32, #tpu.memory_space<hbm>>
    %dma_wait3A_159 = arith.constant 0 : i32
    %dma_wait3A_160 = arith.constant 0 : i32
    %dma_wait3A_161 = tpu.memref_slice %arg6[%dma_wait3A_159, %dma_wait3A_160] : memref<16x64xf32, #tpu.memory_space<vmem>> -> memref<4x64xf32, #tpu.memory_space<vmem>>
    %dma_wait3A_162 = arith.constant 0 : i32
    %dma_wait3A_163 = arith.constant 0 : i32
    %dma_wait3A_164 = tpu.memref_slice %arg3[%dma_wait3A_162, %dma_wait3A_163] : memref<16x64xf32, #tpu.memory_space<hbm>> -> memref<4x64xf32, #tpu.memory_space<hbm>>
    tpu.wait_dma2 semaphore(%arg9 : memref<!tpu.dma_semaphore, #tpu.memory_space<semaphore_mem>>) src(%dma_wait3A_164 : memref<4x64xf32, #tpu.memory_space<hbm>>) dst(%dma_wait3A_161 : memref<4x64xf32, #tpu.memory_space<vmem>>)
    %get3A = arith.constant 0 : i32
    %get3A_165 = arith.index_cast %get3A : i32 to index
    %get3A_166 = arith.constant 0 : index
    %get3A_167 = tpu.vector_load %arg6[%get3A_165, %get3A_166] {strides = array<i32>} : memref<16x64xf32, #tpu.memory_space<vmem>>, vector<1x16xf32>,
    %get3A_168 = vector.shape_cast %get3A_167 : vector<1x16xf32> to vector<16xf32>
    %get3A_169 = arith.constant 0 : i32
    %get3A_170 = arith.index_cast %get3A_169 : i32 to index
    %get3A_171 = arith.constant 16 : index
    %get3A_172 = tpu.vector_load %arg6[%get3A_170, %get3A_171] {strides = array<i32>} : memref<16x64xf32, #tpu.memory_space<vmem>>, vector<1x16xf32>,
    %get3A_173 = vector.shape_cast %get3A_172 : vector<1x16xf32> to vector<16xf32>
    %get3A_174 = arith.constant 0 : i32
    %get3A_175 = arith.index_cast %get3A_174 : i32 to index
    %get3A_176 = arith.constant 32 : index
    %get3A_177 = tpu.vector_load %arg6[%get3A_175, %get3A_176] {strides = array<i32>} : memref<16x64xf32, #tpu.memory_space<vmem>>, vector<1x16xf32>,
    %get3A_178 = vector.shape_cast %get3A_177 : vector<1x16xf32> to vector<16xf32>
    %get3A_179 = arith.constant 0 : i32
    %get3A_180 = arith.index_cast %get3A_179 : i32 to index
    %get3A_181 = arith.constant 48 : index
    %get3A_182 = tpu.vector_load %arg6[%get3A_180, %get3A_181] {strides = array<i32>} : memref<16x64xf32, #tpu.memory_space<vmem>>, vector<1x16xf32>,
    %get3A_183 = vector.shape_cast %get3A_182 : vector<1x16xf32> to vector<16xf32>
    %get3A_184 = arith.constant 1 : i32
    %get3A_185 = arith.index_cast %get3A_184 : i32 to index
    %get3A_186 = arith.constant 0 : index
    %get3A_187 = tpu.vector_load %arg6[%get3A_185, %get3A_186] {strides = array<i32>} : memref<16x64xf32, #tpu.memory_space<vmem>>, vector<1x16xf32>,
    %get3A_188 = vector.shape_cast %get3A_187 : vector<1x16xf32> to vector<16xf32>
    %get3A_189 = arith.constant 1 : i32
    %get3A_190 = arith.index_cast %get3A_189 : i32 to index
    %get3A_191 = arith.constant 16 : index
    %get3A_192 = tpu.vector_load %arg6[%get3A_190, %get3A_191] {strides = array<i32>} : memref<16x64xf32, #tpu.memory_space<vmem>>, vector<1x16xf32>,
    %get3A_193 = vector.shape_cast %get3A_192 : vector<1x16xf32> to vector<16xf32>
    %get3A_194 = arith.constant 1 : i32
    %get3A_195 = arith.index_cast %get3A_194 : i32 to index
    %get3A_196 = arith.constant 32 : index
    %get3A_197 = tpu.vector_load %arg6[%get3A_195, %get3A_196] {strides = array<i32>} : memref<16x64xf32, #tpu.memory_space<vmem>>, vector<1x16xf32>,
    %get3A_198 = vector.shape_cast %get3A_197 : vector<1x16xf32> to vector<16xf32>
    %get3A_199 = arith.constant 1 : i32
    %get3A_200 = arith.index_cast %get3A_199 : i32 to index
    %get3A_201 = arith.constant 48 : index
    %get3A_202 = tpu.vector_load %arg6[%get3A_200, %get3A_201] {strides = array<i32>} : memref<16x64xf32, #tpu.memory_space<vmem>>, vector<1x16xf32>,
    %get3A_203 = vector.shape_cast %get3A_202 : vector<1x16xf32> to vector<16xf32>
    %get3A_204 = arith.constant 2 : i32
    %get3A_205 = arith.index_cast %get3A_204 : i32 to index
    %get3A_206 = arith.constant 0 : index
    %get3A_207 = tpu.vector_load %arg6[%get3A_205, %get3A_206] {strides = array<i32>} : memref<16x64xf32, #tpu.memory_space<vmem>>, vector<1x16xf32>,
    %get3A_208 = vector.shape_cast %get3A_207 : vector<1x16xf32> to vector<16xf32>
    %get3A_209 = arith.constant 2 : i32
    %get3A_210 = arith.index_cast %get3A_209 : i32 to index
    %get3A_211 = arith.constant 16 : index
    %get3A_212 = tpu.vector_load %arg6[%get3A_210, %get3A_211] {strides = array<i32>} : memref<16x64xf32, #tpu.memory_space<vmem>>, vector<1x16xf32>,
    %get3A_213 = vector.shape_cast %get3A_212 : vector<1x16xf32> to vector<16xf32>
    %get3A_214 = arith.constant 2 : i32
    %get3A_215 = arith.index_cast %get3A_214 : i32 to index
    %get3A_216 = arith.constant 32 : index
    %get3A_217 = tpu.vector_load %arg6[%get3A_215, %get3A_216] {strides = array<i32>} : memref<16x64xf32, #tpu.memory_space<vmem>>, vector<1x16xf32>,
    %get3A_218 = vector.shape_cast %get3A_217 : vector<1x16xf32> to vector<16xf32>
    %get3A_219 = arith.constant 2 : i32
    %get3A_220 = arith.index_cast %get3A_219 : i32 to index
    %get3A_221 = arith.constant 48 : index
    %get3A_222 = tpu.vector_load %arg6[%get3A_220, %get3A_221] {strides = array<i32>} : memref<16x64xf32, #tpu.memory_space<vmem>>, vector<1x16xf32>,
    %get3A_223 = vector.shape_cast %get3A_222 : vector<1x16xf32> to vector<16xf32>
    %get3A_224 = arith.constant 3 : i32
    %get3A_225 = arith.index_cast %get3A_224 : i32 to index
    %get3A_226 = arith.constant 0 : index
    %get3A_227 = tpu.vector_load %arg6[%get3A_225, %get3A_226] {strides = array<i32>} : memref<16x64xf32, #tpu.memory_space<vmem>>, vector<1x16xf32>,
    %get3A_228 = vector.shape_cast %get3A_227 : vector<1x16xf32> to vector<16xf32>
    %get3A_229 = arith.constant 3 : i32
    %get3A_230 = arith.index_cast %get3A_229 : i32 to index
    %get3A_231 = arith.constant 16 : index
    %get3A_232 = tpu.vector_load %arg6[%get3A_230, %get3A_231] {strides = array<i32>} : memref<16x64xf32, #tpu.memory_space<vmem>>, vector<1x16xf32>,
    %get3A_233 = vector.shape_cast %get3A_232 : vector<1x16xf32> to vector<16xf32>
    %get3A_234 = arith.constant 3 : i32
    %get3A_235 = arith.index_cast %get3A_234 : i32 to index
    %get3A_236 = arith.constant 32 : index
    %get3A_237 = tpu.vector_load %arg6[%get3A_235, %get3A_236] {strides = array<i32>} : memref<16x64xf32, #tpu.memory_space<vmem>>, vector<1x16xf32>,
    %get3A_238 = vector.shape_cast %get3A_237 : vector<1x16xf32> to vector<16xf32>
    %get3A_239 = arith.constant 3 : i32
    %get3A_240 = arith.index_cast %get3A_239 : i32 to index
    %get3A_241 = arith.constant 48 : index
    %get3A_242 = tpu.vector_load %arg6[%get3A_240, %get3A_241] {strides = array<i32>} : memref<16x64xf32, #tpu.memory_space<vmem>>, vector<1x16xf32>,
    %get3A_243 = vector.shape_cast %get3A_242 : vector<1x16xf32> to vector<16xf32>
    %scan3A = arith.constant 0 : i32
    %scan3A_244 = arith.constant 0 : i32
    %scan3A_245 = arith.constant 32 : i32
    %scan3A_246 = arith.addi %scan3A_244, %scan3A_245 : i32
    %scan3A_247 = arith.constant 1 : i32
    %scan3A_248 = scf.for %scan3A_627 = %scan3A_244 to %scan3A_246 step %scan3A_247 iter_args(%scan3A_628 = %scan3A) -> (i32)  : i32 {
      %mul3A_629 = arith.constant 16 : i32
      %mul3A_630 = arith.muli %scan3A_627, %mul3A_629 : i32
      %get3A_631 = arith.index_cast %mul3A_630 : i32 to index
      %get3A_632 = tpu.vector_load %arg5[%get3A_631] {strides = array<i32>} : memref<512xi32, #tpu.memory_space<vmem>>, vector<16xi32>,
      %get3A_633 = vector.shape_cast %get3A_632 : vector<16xi32> to vector<16xi32>
      %and3A = arith.constant 15 : i32
      %and3A_634 = vector.broadcast %and3A : i32 to vector<16xi32>
      %and3A_635 = arith.andi %get3A_633, %and3A_634 : vector<16xi32>
      %shift_right_arithmetic3A = arith.constant 4 : i32
      %shift_right_arithmetic3A_636 = vector.broadcast %shift_right_arithmetic3A : i32 to vector<16xi32>
      %shift_right_arithmetic3A_637 = arith.shrsi %get3A_633, %shift_right_arithmetic3A_636 : vector<16xi32>
      %broadcast_in_dim3A = vector.shape_cast %and3A_635 : vector<16xi32> to vector<16x1xi32>
      %gather3A = vector.shape_cast %broadcast_in_dim3A : vector<16x1xi32> to vector<16xi32>
      %gather3A_638 = tpu.dynamic_gather %get3A_168[%gather3A] in [0] : vector<16xf32>, vector<16xi32> -> vector<16xf32>
      %eq3A = arith.constant 1 : i32
      %eq3A_639 = vector.broadcast %eq3A : i32 to vector<16xi32>
      %eq3A_640 = arith.cmpi eq, %shift_right_arithmetic3A_637, %eq3A_639 : vector<16xi32>
      %broadcast_in_dim3A_641 = vector.shape_cast %and3A_635 : vector<16xi32> to vector<16x1xi32>
      %gather3A_642 = vector.shape_cast %broadcast_in_dim3A_641 : vector<16x1xi32> to vector<16xi32>
      %gather3A_643 = tpu.dynamic_gather %get3A_173[%gather3A_642] in [0] : vector<16xf32>, vector<16xi32> -> vector<16xf32>
      %select_n3A = arith.select %eq3A_640, %gather3A_643, %gather3A_638 : vector<16xi1>, vector<16xf32>
      %eq3A_644 = arith.constant 2 : i32
      %eq3A_645 = vector.broadcast %eq3A_644 : i32 to vector<16xi32>
      %eq3A_646 = arith.cmpi eq, %shift_right_arithmetic3A_637, %eq3A_645 : vector<16xi32>
      %broadcast_in_dim3A_647 = vector.shape_cast %and3A_635 : vector<16xi32> to vector<16x1xi32>
      %gather3A_648 = vector.shape_cast %broadcast_in_dim3A_647 : vector<16x1xi32> to vector<16xi32>
      %gather3A_649 = tpu.dynamic_gather %get3A_178[%gather3A_648] in [0] : vector<16xf32>, vector<16xi32> -> vector<16xf32>
      %select_n3A_650 = arith.select %eq3A_646, %gather3A_649, %select_n3A : vector<16xi1>, vector<16xf32>
      %eq3A_651 = arith.constant 3 : i32
      %eq3A_652 = vector.broadcast %eq3A_651 : i32 to vector<16xi32>
      %eq3A_653 = arith.cmpi eq, %shift_right_arithmetic3A_637, %eq3A_652 : vector<16xi32>
      %broadcast_in_dim3A_654 = vector.shape_cast %and3A_635 : vector<16xi32> to vector<16x1xi32>
      %gather3A_655 = vector.shape_cast %broadcast_in_dim3A_654 : vector<16x1xi32> to vector<16xi32>
      %gather3A_656 = tpu.dynamic_gather %get3A_183[%gather3A_655] in [0] : vector<16xf32>, vector<16xi32> -> vector<16xf32>
      %select_n3A_657 = arith.select %eq3A_653, %gather3A_656, %select_n3A_650 : vector<16xi1>, vector<16xf32>
      %mul3A_658 = arith.constant 16 : i32
      %mul3A_659 = arith.muli %scan3A_627, %mul3A_658 : i32
      %swap3A = arith.constant 0 : i32
      %swap3A_660 = arith.index_cast %swap3A : i32 to index
      %swap3A_661 = arith.index_cast %mul3A_659 : i32 to index
      %swap3A_662 = tpu.vector_load %arg7[%swap3A_660, %swap3A_661] {strides = array<i32>} : memref<16x512xf32, #tpu.memory_space<vmem>>, vector<1x16xf32>,
      %swap3A_663 = vector.shape_cast %swap3A_662 : vector<1x16xf32> to vector<16xf32>
      %swap3A_664 = vector.shape_cast %select_n3A_657 : vector<16xf32> to vector<1x16xf32>
      tpu.vector_store %arg7[%swap3A_660, %swap3A_661], %swap3A_664 {strides = array<i32>} : memref<16x512xf32, #tpu.memory_space<vmem>>, vector<1x16xf32>,
      %broadcast_in_dim3A_665 = vector.shape_cast %and3A_635 : vector<16xi32> to vector<16x1xi32>
      %gather3A_666 = vector.shape_cast %broadcast_in_dim3A_665 : vector<16x1xi32> to vector<16xi32>
      %gather3A_667 = tpu.dynamic_gather %get3A_188[%gather3A_666] in [0] : vector<16xf32>, vector<16xi32> -> vector<16xf32>
      %eq3A_668 = arith.constant 1 : i32
      %eq3A_669 = vector.broadcast %eq3A_668 : i32 to vector<16xi32>
      %eq3A_670 = arith.cmpi eq, %shift_right_arithmetic3A_637, %eq3A_669 : vector<16xi32>
      %broadcast_in_dim3A_671 = vector.shape_cast %and3A_635 : vector<16xi32> to vector<16x1xi32>
      %gather3A_672 = vector.shape_cast %broadcast_in_dim3A_671 : vector<16x1xi32> to vector<16xi32>
      %gather3A_673 = tpu.dynamic_gather %get3A_193[%gather3A_672] in [0] : vector<16xf32>, vector<16xi32> -> vector<16xf32>
      %select_n3A_674 = arith.select %eq3A_670, %gather3A_673, %gather3A_667 : vector<16xi1>, vector<16xf32>
      %eq3A_675 = arith.constant 2 : i32
      %eq3A_676 = vector.broadcast %eq3A_675 : i32 to vector<16xi32>
      %eq3A_677 = arith.cmpi eq, %shift_right_arithmetic3A_637, %eq3A_676 : vector<16xi32>
      %broadcast_in_dim3A_678 = vector.shape_cast %and3A_635 : vector<16xi32> to vector<16x1xi32>
      %gather3A_679 = vector.shape_cast %broadcast_in_dim3A_678 : vector<16x1xi32> to vector<16xi32>
      %gather3A_680 = tpu.dynamic_gather %get3A_198[%gather3A_679] in [0] : vector<16xf32>, vector<16xi32> -> vector<16xf32>
      %select_n3A_681 = arith.select %eq3A_677, %gather3A_680, %select_n3A_674 : vector<16xi1>, vector<16xf32>
      %eq3A_682 = arith.constant 3 : i32
      %eq3A_683 = vector.broadcast %eq3A_682 : i32 to vector<16xi32>
      %eq3A_684 = arith.cmpi eq, %shift_right_arithmetic3A_637, %eq3A_683 : vector<16xi32>
      %broadcast_in_dim3A_685 = vector.shape_cast %and3A_635 : vector<16xi32> to vector<16x1xi32>
      %gather3A_686 = vector.shape_cast %broadcast_in_dim3A_685 : vector<16x1xi32> to vector<16xi32>
      %gather3A_687 = tpu.dynamic_gather %get3A_203[%gather3A_686] in [0] : vector<16xf32>, vector<16xi32> -> vector<16xf32>
      %select_n3A_688 = arith.select %eq3A_684, %gather3A_687, %select_n3A_681 : vector<16xi1>, vector<16xf32>
      %mul3A_689 = arith.constant 16 : i32
      %mul3A_690 = arith.muli %scan3A_627, %mul3A_689 : i32
      %swap3A_691 = arith.constant 1 : i32
      %swap3A_692 = arith.index_cast %swap3A_691 : i32 to index
      %swap3A_693 = arith.index_cast %mul3A_690 : i32 to index
      %swap3A_694 = tpu.vector_load %arg7[%swap3A_692, %swap3A_693] {strides = array<i32>} : memref<16x512xf32, #tpu.memory_space<vmem>>, vector<1x16xf32>,
      %swap3A_695 = vector.shape_cast %swap3A_694 : vector<1x16xf32> to vector<16xf32>
      %swap3A_696 = vector.shape_cast %select_n3A_688 : vector<16xf32> to vector<1x16xf32>
      tpu.vector_store %arg7[%swap3A_692, %swap3A_693], %swap3A_696 {strides = array<i32>} : memref<16x512xf32, #tpu.memory_space<vmem>>, vector<1x16xf32>,
      %broadcast_in_dim3A_697 = vector.shape_cast %and3A_635 : vector<16xi32> to vector<16x1xi32>
      %gather3A_698 = vector.shape_cast %broadcast_in_dim3A_697 : vector<16x1xi32> to vector<16xi32>
      %gather3A_699 = tpu.dynamic_gather %get3A_208[%gather3A_698] in [0] : vector<16xf32>, vector<16xi32> -> vector<16xf32>
      %eq3A_700 = arith.constant 1 : i32
      %eq3A_701 = vector.broadcast %eq3A_700 : i32 to vector<16xi32>
      %eq3A_702 = arith.cmpi eq, %shift_right_arithmetic3A_637, %eq3A_701 : vector<16xi32>
      %broadcast_in_dim3A_703 = vector.shape_cast %and3A_635 : vector<16xi32> to vector<16x1xi32>
      %gather3A_704 = vector.shape_cast %broadcast_in_dim3A_703 : vector<16x1xi32> to vector<16xi32>
      %gather3A_705 = tpu.dynamic_gather %get3A_213[%gather3A_704] in [0] : vector<16xf32>, vector<16xi32> -> vector<16xf32>
      %select_n3A_706 = arith.select %eq3A_702, %gather3A_705, %gather3A_699 : vector<16xi1>, vector<16xf32>
      %eq3A_707 = arith.constant 2 : i32
      %eq3A_708 = vector.broadcast %eq3A_707 : i32 to vector<16xi32>
      %eq3A_709 = arith.cmpi eq, %shift_right_arithmetic3A_637, %eq3A_708 : vector<16xi32>
      %broadcast_in_dim3A_710 = vector.shape_cast %and3A_635 : vector<16xi32> to vector<16x1xi32>
      %gather3A_711 = vector.shape_cast %broadcast_in_dim3A_710 : vector<16x1xi32> to vector<16xi32>
      %gather3A_712 = tpu.dynamic_gather %get3A_218[%gather3A_711] in [0] : vector<16xf32>, vector<16xi32> -> vector<16xf32>
      %select_n3A_713 = arith.select %eq3A_709, %gather3A_712, %select_n3A_706 : vector<16xi1>, vector<16xf32>
      %eq3A_714 = arith.constant 3 : i32
      %eq3A_715 = vector.broadcast %eq3A_714 : i32 to vector<16xi32>
      %eq3A_716 = arith.cmpi eq, %shift_right_arithmetic3A_637, %eq3A_715 : vector<16xi32>
      %broadcast_in_dim3A_717 = vector.shape_cast %and3A_635 : vector<16xi32> to vector<16x1xi32>
      %gather3A_718 = vector.shape_cast %broadcast_in_dim3A_717 : vector<16x1xi32> to vector<16xi32>
      %gather3A_719 = tpu.dynamic_gather %get3A_223[%gather3A_718] in [0] : vector<16xf32>, vector<16xi32> -> vector<16xf32>
      %select_n3A_720 = arith.select %eq3A_716, %gather3A_719, %select_n3A_713 : vector<16xi1>, vector<16xf32>
      %mul3A_721 = arith.constant 16 : i32
      %mul3A_722 = arith.muli %scan3A_627, %mul3A_721 : i32
      %swap3A_723 = arith.constant 2 : i32
      %swap3A_724 = arith.index_cast %swap3A_723 : i32 to index
      %swap3A_725 = arith.index_cast %mul3A_722 : i32 to index
      %swap3A_726 = tpu.vector_load %arg7[%swap3A_724, %swap3A_725] {strides = array<i32>} : memref<16x512xf32, #tpu.memory_space<vmem>>, vector<1x16xf32>,
      %swap3A_727 = vector.shape_cast %swap3A_726 : vector<1x16xf32> to vector<16xf32>
      %swap3A_728 = vector.shape_cast %select_n3A_720 : vector<16xf32> to vector<1x16xf32>
      tpu.vector_store %arg7[%swap3A_724, %swap3A_725], %swap3A_728 {strides = array<i32>} : memref<16x512xf32, #tpu.memory_space<vmem>>, vector<1x16xf32>,
      %broadcast_in_dim3A_729 = vector.shape_cast %and3A_635 : vector<16xi32> to vector<16x1xi32>
      %gather3A_730 = vector.shape_cast %broadcast_in_dim3A_729 : vector<16x1xi32> to vector<16xi32>
      %gather3A_731 = tpu.dynamic_gather %get3A_228[%gather3A_730] in [0] : vector<16xf32>, vector<16xi32> -> vector<16xf32>
      %eq3A_732 = arith.constant 1 : i32
      %eq3A_733 = vector.broadcast %eq3A_732 : i32 to vector<16xi32>
      %eq3A_734 = arith.cmpi eq, %shift_right_arithmetic3A_637, %eq3A_733 : vector<16xi32>
      %broadcast_in_dim3A_735 = vector.shape_cast %and3A_635 : vector<16xi32> to vector<16x1xi32>
      %gather3A_736 = vector.shape_cast %broadcast_in_dim3A_735 : vector<16x1xi32> to vector<16xi32>
      %gather3A_737 = tpu.dynamic_gather %get3A_233[%gather3A_736] in [0] : vector<16xf32>, vector<16xi32> -> vector<16xf32>
      %select_n3A_738 = arith.select %eq3A_734, %gather3A_737, %gather3A_731 : vector<16xi1>, vector<16xf32>
      %eq3A_739 = arith.constant 2 : i32
      %eq3A_740 = vector.broadcast %eq3A_739 : i32 to vector<16xi32>
      %eq3A_741 = arith.cmpi eq, %shift_right_arithmetic3A_637, %eq3A_740 : vector<16xi32>
      %broadcast_in_dim3A_742 = vector.shape_cast %and3A_635 : vector<16xi32> to vector<16x1xi32>
      %gather3A_743 = vector.shape_cast %broadcast_in_dim3A_742 : vector<16x1xi32> to vector<16xi32>
      %gather3A_744 = tpu.dynamic_gather %get3A_238[%gather3A_743] in [0] : vector<16xf32>, vector<16xi32> -> vector<16xf32>
      %select_n3A_745 = arith.select %eq3A_741, %gather3A_744, %select_n3A_738 : vector<16xi1>, vector<16xf32>
      %eq3A_746 = arith.constant 3 : i32
      %eq3A_747 = vector.broadcast %eq3A_746 : i32 to vector<16xi32>
      %eq3A_748 = arith.cmpi eq, %shift_right_arithmetic3A_637, %eq3A_747 : vector<16xi32>
      %broadcast_in_dim3A_749 = vector.shape_cast %and3A_635 : vector<16xi32> to vector<16x1xi32>
      %gather3A_750 = vector.shape_cast %broadcast_in_dim3A_749 : vector<16x1xi32> to vector<16xi32>
      %gather3A_751 = tpu.dynamic_gather %get3A_243[%gather3A_750] in [0] : vector<16xf32>, vector<16xi32> -> vector<16xf32>
      %select_n3A_752 = arith.select %eq3A_748, %gather3A_751, %select_n3A_745 : vector<16xi1>, vector<16xf32>
      %mul3A_753 = arith.constant 16 : i32
      %mul3A_754 = arith.muli %scan3A_627, %mul3A_753 : i32
      %swap3A_755 = arith.constant 3 : i32
      %swap3A_756 = arith.index_cast %swap3A_755 : i32 to index
      %swap3A_757 = arith.index_cast %mul3A_754 : i32 to index
      %swap3A_758 = tpu.vector_load %arg7[%swap3A_756, %swap3A_757] {strides = array<i32>} : memref<16x512xf32, #tpu.memory_space<vmem>>, vector<1x16xf32>,
      %swap3A_759 = vector.shape_cast %swap3A_758 : vector<1x16xf32> to vector<16xf32>
      %swap3A_760 = vector.shape_cast %select_n3A_752 : vector<16xf32> to vector<1x16xf32>
      tpu.vector_store %arg7[%swap3A_756, %swap3A_757], %swap3A_760 {strides = array<i32>} : memref<16x512xf32, #tpu.memory_space<vmem>>, vector<1x16xf32>,
      %scan3A_761 = arith.constant 0 : i32
      scf.yield %scan3A_761 : i32
    }
    %scan3A_249 = arith.constant 32 : i32
    %dma_start3A_250 = arith.constant 0 : i32
    %dma_start3A_251 = arith.constant 0 : i32
    %dma_start3A_252 = tpu.memref_slice %arg7[%dma_start3A_250, %dma_start3A_251] : memref<16x512xf32, #tpu.memory_space<vmem>> -> memref<4x512xf32, #tpu.memory_space<vmem>>
    %dma_start3A_253 = arith.constant 0 : i32
    %dma_start3A_254 = tpu.memref_slice %arg4[%dma_start3A_253, %mul3A_2] : memref<16x16384xf32, #tpu.memory_space<hbm>> -> memref<4x512xf32, #tpu.memory_space<hbm>>
    %dma_start3A_255 = arith.constant 0 : i32
    %dma_start3A_256 = tpu.memref_slice %arg4[%dma_start3A_255, %mul3A_2] : memref<16x16384xf32, #tpu.memory_space<hbm>> -> memref<4x512xf32, #tpu.memory_space<hbm>>
    %dma_start3A_257 = arith.constant 0 : i32
    %dma_start3A_258 = arith.constant 0 : i32
    %dma_start3A_259 = tpu.memref_slice %arg7[%dma_start3A_257, %dma_start3A_258] : memref<16x512xf32, #tpu.memory_space<vmem>> -> memref<4x512xf32, #tpu.memory_space<vmem>>
    tpu.enqueue_dma source(%dma_start3A_259 : memref<4x512xf32, #tpu.memory_space<vmem>>) target(%dma_start3A_256 : memref<4x512xf32, #tpu.memory_space<hbm>>) target_semaphore(%arg13 : memref<!tpu.dma_semaphore, #tpu.memory_space<semaphore_mem>>)
    %dma_wait3A_260 = arith.constant 4 : i32
    %dma_wait3A_261 = arith.constant 0 : i32
    %dma_wait3A_262 = tpu.memref_slice %arg6[%dma_wait3A_260, %dma_wait3A_261] : memref<16x64xf32, #tpu.memory_space<vmem>> -> memref<4x64xf32, #tpu.memory_space<vmem>>
    %dma_wait3A_263 = arith.constant 4 : i32
    %dma_wait3A_264 = arith.constant 0 : i32
    %dma_wait3A_265 = tpu.memref_slice %arg3[%dma_wait3A_263, %dma_wait3A_264] : memref<16x64xf32, #tpu.memory_space<hbm>> -> memref<4x64xf32, #tpu.memory_space<hbm>>
    %dma_wait3A_266 = arith.constant 4 : i32
    %dma_wait3A_267 = arith.constant 0 : i32
    %dma_wait3A_268 = tpu.memref_slice %arg6[%dma_wait3A_266, %dma_wait3A_267] : memref<16x64xf32, #tpu.memory_space<vmem>> -> memref<4x64xf32, #tpu.memory_space<vmem>>
    %dma_wait3A_269 = arith.constant 4 : i32
    %dma_wait3A_270 = arith.constant 0 : i32
    %dma_wait3A_271 = tpu.memref_slice %arg3[%dma_wait3A_269, %dma_wait3A_270] : memref<16x64xf32, #tpu.memory_space<hbm>> -> memref<4x64xf32, #tpu.memory_space<hbm>>
    tpu.wait_dma2 semaphore(%arg10 : memref<!tpu.dma_semaphore, #tpu.memory_space<semaphore_mem>>) src(%dma_wait3A_271 : memref<4x64xf32, #tpu.memory_space<hbm>>) dst(%dma_wait3A_268 : memref<4x64xf32, #tpu.memory_space<vmem>>)
    %get3A_272 = arith.constant 4 : i32
    %get3A_273 = arith.index_cast %get3A_272 : i32 to index
    %get3A_274 = arith.constant 0 : index
    %get3A_275 = tpu.vector_load %arg6[%get3A_273, %get3A_274] {strides = array<i32>} : memref<16x64xf32, #tpu.memory_space<vmem>>, vector<1x16xf32>,
    %get3A_276 = vector.shape_cast %get3A_275 : vector<1x16xf32> to vector<16xf32>
    %get3A_277 = arith.constant 4 : i32
    %get3A_278 = arith.index_cast %get3A_277 : i32 to index
    %get3A_279 = arith.constant 16 : index
    %get3A_280 = tpu.vector_load %arg6[%get3A_278, %get3A_279] {strides = array<i32>} : memref<16x64xf32, #tpu.memory_space<vmem>>, vector<1x16xf32>,
    %get3A_281 = vector.shape_cast %get3A_280 : vector<1x16xf32> to vector<16xf32>
    %get3A_282 = arith.constant 4 : i32
    %get3A_283 = arith.index_cast %get3A_282 : i32 to index
    %get3A_284 = arith.constant 32 : index
    %get3A_285 = tpu.vector_load %arg6[%get3A_283, %get3A_284] {strides = array<i32>} : memref<16x64xf32, #tpu.memory_space<vmem>>, vector<1x16xf32>,
    %get3A_286 = vector.shape_cast %get3A_285 : vector<1x16xf32> to vector<16xf32>
    %get3A_287 = arith.constant 4 : i32
    %get3A_288 = arith.index_cast %get3A_287 : i32 to index
    %get3A_289 = arith.constant 48 : index
    %get3A_290 = tpu.vector_load %arg6[%get3A_288, %get3A_289] {strides = array<i32>} : memref<16x64xf32, #tpu.memory_space<vmem>>, vector<1x16xf32>,
    %get3A_291 = vector.shape_cast %get3A_290 : vector<1x16xf32> to vector<16xf32>
    %get3A_292 = arith.constant 5 : i32
    %get3A_293 = arith.index_cast %get3A_292 : i32 to index
    %get3A_294 = arith.constant 0 : index
    %get3A_295 = tpu.vector_load %arg6[%get3A_293, %get3A_294] {strides = array<i32>} : memref<16x64xf32, #tpu.memory_space<vmem>>, vector<1x16xf32>,
    %get3A_296 = vector.shape_cast %get3A_295 : vector<1x16xf32> to vector<16xf32>
    %get3A_297 = arith.constant 5 : i32
    %get3A_298 = arith.index_cast %get3A_297 : i32 to index
    %get3A_299 = arith.constant 16 : index
    %get3A_300 = tpu.vector_load %arg6[%get3A_298, %get3A_299] {strides = array<i32>} : memref<16x64xf32, #tpu.memory_space<vmem>>, vector<1x16xf32>,
    %get3A_301 = vector.shape_cast %get3A_300 : vector<1x16xf32> to vector<16xf32>
    %get3A_302 = arith.constant 5 : i32
    %get3A_303 = arith.index_cast %get3A_302 : i32 to index
    %get3A_304 = arith.constant 32 : index
    %get3A_305 = tpu.vector_load %arg6[%get3A_303, %get3A_304] {strides = array<i32>} : memref<16x64xf32, #tpu.memory_space<vmem>>, vector<1x16xf32>,
    %get3A_306 = vector.shape_cast %get3A_305 : vector<1x16xf32> to vector<16xf32>
    %get3A_307 = arith.constant 5 : i32
    %get3A_308 = arith.index_cast %get3A_307 : i32 to index
    %get3A_309 = arith.constant 48 : index
    %get3A_310 = tpu.vector_load %arg6[%get3A_308, %get3A_309] {strides = array<i32>} : memref<16x64xf32, #tpu.memory_space<vmem>>, vector<1x16xf32>,
    %get3A_311 = vector.shape_cast %get3A_310 : vector<1x16xf32> to vector<16xf32>
    %get3A_312 = arith.constant 6 : i32
    %get3A_313 = arith.index_cast %get3A_312 : i32 to index
    %get3A_314 = arith.constant 0 : index
    %get3A_315 = tpu.vector_load %arg6[%get3A_313, %get3A_314] {strides = array<i32>} : memref<16x64xf32, #tpu.memory_space<vmem>>, vector<1x16xf32>,
    %get3A_316 = vector.shape_cast %get3A_315 : vector<1x16xf32> to vector<16xf32>
    %get3A_317 = arith.constant 6 : i32
    %get3A_318 = arith.index_cast %get3A_317 : i32 to index
    %get3A_319 = arith.constant 16 : index
    %get3A_320 = tpu.vector_load %arg6[%get3A_318, %get3A_319] {strides = array<i32>} : memref<16x64xf32, #tpu.memory_space<vmem>>, vector<1x16xf32>,
    %get3A_321 = vector.shape_cast %get3A_320 : vector<1x16xf32> to vector<16xf32>
    %get3A_322 = arith.constant 6 : i32
    %get3A_323 = arith.index_cast %get3A_322 : i32 to index
    %get3A_324 = arith.constant 32 : index
    %get3A_325 = tpu.vector_load %arg6[%get3A_323, %get3A_324] {strides = array<i32>} : memref<16x64xf32, #tpu.memory_space<vmem>>, vector<1x16xf32>,
    %get3A_326 = vector.shape_cast %get3A_325 : vector<1x16xf32> to vector<16xf32>
    %get3A_327 = arith.constant 6 : i32
    %get3A_328 = arith.index_cast %get3A_327 : i32 to index
    %get3A_329 = arith.constant 48 : index
    %get3A_330 = tpu.vector_load %arg6[%get3A_328, %get3A_329] {strides = array<i32>} : memref<16x64xf32, #tpu.memory_space<vmem>>, vector<1x16xf32>,
    %get3A_331 = vector.shape_cast %get3A_330 : vector<1x16xf32> to vector<16xf32>
    %get3A_332 = arith.constant 7 : i32
    %get3A_333 = arith.index_cast %get3A_332 : i32 to index
    %get3A_334 = arith.constant 0 : index
    %get3A_335 = tpu.vector_load %arg6[%get3A_333, %get3A_334] {strides = array<i32>} : memref<16x64xf32, #tpu.memory_space<vmem>>, vector<1x16xf32>,
    %get3A_336 = vector.shape_cast %get3A_335 : vector<1x16xf32> to vector<16xf32>
    %get3A_337 = arith.constant 7 : i32
    %get3A_338 = arith.index_cast %get3A_337 : i32 to index
    %get3A_339 = arith.constant 16 : index
    %get3A_340 = tpu.vector_load %arg6[%get3A_338, %get3A_339] {strides = array<i32>} : memref<16x64xf32, #tpu.memory_space<vmem>>, vector<1x16xf32>,
    %get3A_341 = vector.shape_cast %get3A_340 : vector<1x16xf32> to vector<16xf32>
    %get3A_342 = arith.constant 7 : i32
    %get3A_343 = arith.index_cast %get3A_342 : i32 to index
    %get3A_344 = arith.constant 32 : index
    %get3A_345 = tpu.vector_load %arg6[%get3A_343, %get3A_344] {strides = array<i32>} : memref<16x64xf32, #tpu.memory_space<vmem>>, vector<1x16xf32>,
    %get3A_346 = vector.shape_cast %get3A_345 : vector<1x16xf32> to vector<16xf32>
    %get3A_347 = arith.constant 7 : i32
    %get3A_348 = arith.index_cast %get3A_347 : i32 to index
    %get3A_349 = arith.constant 48 : index
    %get3A_350 = tpu.vector_load %arg6[%get3A_348, %get3A_349] {strides = array<i32>} : memref<16x64xf32, #tpu.memory_space<vmem>>, vector<1x16xf32>,
    %get3A_351 = vector.shape_cast %get3A_350 : vector<1x16xf32> to vector<16xf32>
    %scan3A_352 = arith.constant 0 : i32
    %scan3A_353 = arith.constant 0 : i32
    %scan3A_354 = arith.constant 32 : i32
    %scan3A_355 = arith.addi %scan3A_353, %scan3A_354 : i32
    %scan3A_356 = arith.constant 1 : i32
    %scan3A_357 = scf.for %scan3A_627 = %scan3A_353 to %scan3A_355 step %scan3A_356 iter_args(%scan3A_628 = %scan3A_352) -> (i32)  : i32 {
      %mul3A_629 = arith.constant 16 : i32
      %mul3A_630 = arith.muli %scan3A_627, %mul3A_629 : i32
      %get3A_631 = arith.index_cast %mul3A_630 : i32 to index
      %get3A_632 = tpu.vector_load %arg5[%get3A_631] {strides = array<i32>} : memref<512xi32, #tpu.memory_space<vmem>>, vector<16xi32>,
      %get3A_633 = vector.shape_cast %get3A_632 : vector<16xi32> to vector<16xi32>
      %and3A = arith.constant 15 : i32
      %and3A_634 = vector.broadcast %and3A : i32 to vector<16xi32>
      %and3A_635 = arith.andi %get3A_633, %and3A_634 : vector<16xi32>
      %shift_right_arithmetic3A = arith.constant 4 : i32
      %shift_right_arithmetic3A_636 = vector.broadcast %shift_right_arithmetic3A : i32 to vector<16xi32>
      %shift_right_arithmetic3A_637 = arith.shrsi %get3A_633, %shift_right_arithmetic3A_636 : vector<16xi32>
      %broadcast_in_dim3A = vector.shape_cast %and3A_635 : vector<16xi32> to vector<16x1xi32>
      %gather3A = vector.shape_cast %broadcast_in_dim3A : vector<16x1xi32> to vector<16xi32>
      %gather3A_638 = tpu.dynamic_gather %get3A_276[%gather3A] in [0] : vector<16xf32>, vector<16xi32> -> vector<16xf32>
      %eq3A = arith.constant 1 : i32
      %eq3A_639 = vector.broadcast %eq3A : i32 to vector<16xi32>
      %eq3A_640 = arith.cmpi eq, %shift_right_arithmetic3A_637, %eq3A_639 : vector<16xi32>
      %broadcast_in_dim3A_641 = vector.shape_cast %and3A_635 : vector<16xi32> to vector<16x1xi32>
      %gather3A_642 = vector.shape_cast %broadcast_in_dim3A_641 : vector<16x1xi32> to vector<16xi32>
      %gather3A_643 = tpu.dynamic_gather %get3A_281[%gather3A_642] in [0] : vector<16xf32>, vector<16xi32> -> vector<16xf32>
      %select_n3A = arith.select %eq3A_640, %gather3A_643, %gather3A_638 : vector<16xi1>, vector<16xf32>
      %eq3A_644 = arith.constant 2 : i32
      %eq3A_645 = vector.broadcast %eq3A_644 : i32 to vector<16xi32>
      %eq3A_646 = arith.cmpi eq, %shift_right_arithmetic3A_637, %eq3A_645 : vector<16xi32>
      %broadcast_in_dim3A_647 = vector.shape_cast %and3A_635 : vector<16xi32> to vector<16x1xi32>
      %gather3A_648 = vector.shape_cast %broadcast_in_dim3A_647 : vector<16x1xi32> to vector<16xi32>
      %gather3A_649 = tpu.dynamic_gather %get3A_286[%gather3A_648] in [0] : vector<16xf32>, vector<16xi32> -> vector<16xf32>
      %select_n3A_650 = arith.select %eq3A_646, %gather3A_649, %select_n3A : vector<16xi1>, vector<16xf32>
      %eq3A_651 = arith.constant 3 : i32
      %eq3A_652 = vector.broadcast %eq3A_651 : i32 to vector<16xi32>
      %eq3A_653 = arith.cmpi eq, %shift_right_arithmetic3A_637, %eq3A_652 : vector<16xi32>
      %broadcast_in_dim3A_654 = vector.shape_cast %and3A_635 : vector<16xi32> to vector<16x1xi32>
      %gather3A_655 = vector.shape_cast %broadcast_in_dim3A_654 : vector<16x1xi32> to vector<16xi32>
      %gather3A_656 = tpu.dynamic_gather %get3A_291[%gather3A_655] in [0] : vector<16xf32>, vector<16xi32> -> vector<16xf32>
      %select_n3A_657 = arith.select %eq3A_653, %gather3A_656, %select_n3A_650 : vector<16xi1>, vector<16xf32>
      %mul3A_658 = arith.constant 16 : i32
      %mul3A_659 = arith.muli %scan3A_627, %mul3A_658 : i32
      %swap3A = arith.constant 4 : i32
      %swap3A_660 = arith.index_cast %swap3A : i32 to index
      %swap3A_661 = arith.index_cast %mul3A_659 : i32 to index
      %swap3A_662 = tpu.vector_load %arg7[%swap3A_660, %swap3A_661] {strides = array<i32>} : memref<16x512xf32, #tpu.memory_space<vmem>>, vector<1x16xf32>,
      %swap3A_663 = vector.shape_cast %swap3A_662 : vector<1x16xf32> to vector<16xf32>
      %swap3A_664 = vector.shape_cast %select_n3A_657 : vector<16xf32> to vector<1x16xf32>
      tpu.vector_store %arg7[%swap3A_660, %swap3A_661], %swap3A_664 {strides = array<i32>} : memref<16x512xf32, #tpu.memory_space<vmem>>, vector<1x16xf32>,
      %broadcast_in_dim3A_665 = vector.shape_cast %and3A_635 : vector<16xi32> to vector<16x1xi32>
      %gather3A_666 = vector.shape_cast %broadcast_in_dim3A_665 : vector<16x1xi32> to vector<16xi32>
      %gather3A_667 = tpu.dynamic_gather %get3A_296[%gather3A_666] in [0] : vector<16xf32>, vector<16xi32> -> vector<16xf32>
      %eq3A_668 = arith.constant 1 : i32
      %eq3A_669 = vector.broadcast %eq3A_668 : i32 to vector<16xi32>
      %eq3A_670 = arith.cmpi eq, %shift_right_arithmetic3A_637, %eq3A_669 : vector<16xi32>
      %broadcast_in_dim3A_671 = vector.shape_cast %and3A_635 : vector<16xi32> to vector<16x1xi32>
      %gather3A_672 = vector.shape_cast %broadcast_in_dim3A_671 : vector<16x1xi32> to vector<16xi32>
      %gather3A_673 = tpu.dynamic_gather %get3A_301[%gather3A_672] in [0] : vector<16xf32>, vector<16xi32> -> vector<16xf32>
      %select_n3A_674 = arith.select %eq3A_670, %gather3A_673, %gather3A_667 : vector<16xi1>, vector<16xf32>
      %eq3A_675 = arith.constant 2 : i32
      %eq3A_676 = vector.broadcast %eq3A_675 : i32 to vector<16xi32>
      %eq3A_677 = arith.cmpi eq, %shift_right_arithmetic3A_637, %eq3A_676 : vector<16xi32>
      %broadcast_in_dim3A_678 = vector.shape_cast %and3A_635 : vector<16xi32> to vector<16x1xi32>
      %gather3A_679 = vector.shape_cast %broadcast_in_dim3A_678 : vector<16x1xi32> to vector<16xi32>
      %gather3A_680 = tpu.dynamic_gather %get3A_306[%gather3A_679] in [0] : vector<16xf32>, vector<16xi32> -> vector<16xf32>
      %select_n3A_681 = arith.select %eq3A_677, %gather3A_680, %select_n3A_674 : vector<16xi1>, vector<16xf32>
      %eq3A_682 = arith.constant 3 : i32
      %eq3A_683 = vector.broadcast %eq3A_682 : i32 to vector<16xi32>
      %eq3A_684 = arith.cmpi eq, %shift_right_arithmetic3A_637, %eq3A_683 : vector<16xi32>
      %broadcast_in_dim3A_685 = vector.shape_cast %and3A_635 : vector<16xi32> to vector<16x1xi32>
      %gather3A_686 = vector.shape_cast %broadcast_in_dim3A_685 : vector<16x1xi32> to vector<16xi32>
      %gather3A_687 = tpu.dynamic_gather %get3A_311[%gather3A_686] in [0] : vector<16xf32>, vector<16xi32> -> vector<16xf32>
      %select_n3A_688 = arith.select %eq3A_684, %gather3A_687, %select_n3A_681 : vector<16xi1>, vector<16xf32>
      %mul3A_689 = arith.constant 16 : i32
      %mul3A_690 = arith.muli %scan3A_627, %mul3A_689 : i32
      %swap3A_691 = arith.constant 5 : i32
      %swap3A_692 = arith.index_cast %swap3A_691 : i32 to index
      %swap3A_693 = arith.index_cast %mul3A_690 : i32 to index
      %swap3A_694 = tpu.vector_load %arg7[%swap3A_692, %swap3A_693] {strides = array<i32>} : memref<16x512xf32, #tpu.memory_space<vmem>>, vector<1x16xf32>,
      %swap3A_695 = vector.shape_cast %swap3A_694 : vector<1x16xf32> to vector<16xf32>
      %swap3A_696 = vector.shape_cast %select_n3A_688 : vector<16xf32> to vector<1x16xf32>
      tpu.vector_store %arg7[%swap3A_692, %swap3A_693], %swap3A_696 {strides = array<i32>} : memref<16x512xf32, #tpu.memory_space<vmem>>, vector<1x16xf32>,
      %broadcast_in_dim3A_697 = vector.shape_cast %and3A_635 : vector<16xi32> to vector<16x1xi32>
      %gather3A_698 = vector.shape_cast %broadcast_in_dim3A_697 : vector<16x1xi32> to vector<16xi32>
      %gather3A_699 = tpu.dynamic_gather %get3A_316[%gather3A_698] in [0] : vector<16xf32>, vector<16xi32> -> vector<16xf32>
      %eq3A_700 = arith.constant 1 : i32
      %eq3A_701 = vector.broadcast %eq3A_700 : i32 to vector<16xi32>
      %eq3A_702 = arith.cmpi eq, %shift_right_arithmetic3A_637, %eq3A_701 : vector<16xi32>
      %broadcast_in_dim3A_703 = vector.shape_cast %and3A_635 : vector<16xi32> to vector<16x1xi32>
      %gather3A_704 = vector.shape_cast %broadcast_in_dim3A_703 : vector<16x1xi32> to vector<16xi32>
      %gather3A_705 = tpu.dynamic_gather %get3A_321[%gather3A_704] in [0] : vector<16xf32>, vector<16xi32> -> vector<16xf32>
      %select_n3A_706 = arith.select %eq3A_702, %gather3A_705, %gather3A_699 : vector<16xi1>, vector<16xf32>
      %eq3A_707 = arith.constant 2 : i32
      %eq3A_708 = vector.broadcast %eq3A_707 : i32 to vector<16xi32>
      %eq3A_709 = arith.cmpi eq, %shift_right_arithmetic3A_637, %eq3A_708 : vector<16xi32>
      %broadcast_in_dim3A_710 = vector.shape_cast %and3A_635 : vector<16xi32> to vector<16x1xi32>
      %gather3A_711 = vector.shape_cast %broadcast_in_dim3A_710 : vector<16x1xi32> to vector<16xi32>
      %gather3A_712 = tpu.dynamic_gather %get3A_326[%gather3A_711] in [0] : vector<16xf32>, vector<16xi32> -> vector<16xf32>
      %select_n3A_713 = arith.select %eq3A_709, %gather3A_712, %select_n3A_706 : vector<16xi1>, vector<16xf32>
      %eq3A_714 = arith.constant 3 : i32
      %eq3A_715 = vector.broadcast %eq3A_714 : i32 to vector<16xi32>
      %eq3A_716 = arith.cmpi eq, %shift_right_arithmetic3A_637, %eq3A_715 : vector<16xi32>
      %broadcast_in_dim3A_717 = vector.shape_cast %and3A_635 : vector<16xi32> to vector<16x1xi32>
      %gather3A_718 = vector.shape_cast %broadcast_in_dim3A_717 : vector<16x1xi32> to vector<16xi32>
      %gather3A_719 = tpu.dynamic_gather %get3A_331[%gather3A_718] in [0] : vector<16xf32>, vector<16xi32> -> vector<16xf32>
      %select_n3A_720 = arith.select %eq3A_716, %gather3A_719, %select_n3A_713 : vector<16xi1>, vector<16xf32>
      %mul3A_721 = arith.constant 16 : i32
      %mul3A_722 = arith.muli %scan3A_627, %mul3A_721 : i32
      %swap3A_723 = arith.constant 6 : i32
      %swap3A_724 = arith.index_cast %swap3A_723 : i32 to index
      %swap3A_725 = arith.index_cast %mul3A_722 : i32 to index
      %swap3A_726 = tpu.vector_load %arg7[%swap3A_724, %swap3A_725] {strides = array<i32>} : memref<16x512xf32, #tpu.memory_space<vmem>>, vector<1x16xf32>,
      %swap3A_727 = vector.shape_cast %swap3A_726 : vector<1x16xf32> to vector<16xf32>
      %swap3A_728 = vector.shape_cast %select_n3A_720 : vector<16xf32> to vector<1x16xf32>
      tpu.vector_store %arg7[%swap3A_724, %swap3A_725], %swap3A_728 {strides = array<i32>} : memref<16x512xf32, #tpu.memory_space<vmem>>, vector<1x16xf32>,
      %broadcast_in_dim3A_729 = vector.shape_cast %and3A_635 : vector<16xi32> to vector<16x1xi32>
      %gather3A_730 = vector.shape_cast %broadcast_in_dim3A_729 : vector<16x1xi32> to vector<16xi32>
      %gather3A_731 = tpu.dynamic_gather %get3A_336[%gather3A_730] in [0] : vector<16xf32>, vector<16xi32> -> vector<16xf32>
      %eq3A_732 = arith.constant 1 : i32
      %eq3A_733 = vector.broadcast %eq3A_732 : i32 to vector<16xi32>
      %eq3A_734 = arith.cmpi eq, %shift_right_arithmetic3A_637, %eq3A_733 : vector<16xi32>
      %broadcast_in_dim3A_735 = vector.shape_cast %and3A_635 : vector<16xi32> to vector<16x1xi32>
      %gather3A_736 = vector.shape_cast %broadcast_in_dim3A_735 : vector<16x1xi32> to vector<16xi32>
      %gather3A_737 = tpu.dynamic_gather %get3A_341[%gather3A_736] in [0] : vector<16xf32>, vector<16xi32> -> vector<16xf32>
      %select_n3A_738 = arith.select %eq3A_734, %gather3A_737, %gather3A_731 : vector<16xi1>, vector<16xf32>
      %eq3A_739 = arith.constant 2 : i32
      %eq3A_740 = vector.broadcast %eq3A_739 : i32 to vector<16xi32>
      %eq3A_741 = arith.cmpi eq, %shift_right_arithmetic3A_637, %eq3A_740 : vector<16xi32>
      %broadcast_in_dim3A_742 = vector.shape_cast %and3A_635 : vector<16xi32> to vector<16x1xi32>
      %gather3A_743 = vector.shape_cast %broadcast_in_dim3A_742 : vector<16x1xi32> to vector<16xi32>
      %gather3A_744 = tpu.dynamic_gather %get3A_346[%gather3A_743] in [0] : vector<16xf32>, vector<16xi32> -> vector<16xf32>
      %select_n3A_745 = arith.select %eq3A_741, %gather3A_744, %select_n3A_738 : vector<16xi1>, vector<16xf32>
      %eq3A_746 = arith.constant 3 : i32
      %eq3A_747 = vector.broadcast %eq3A_746 : i32 to vector<16xi32>
      %eq3A_748 = arith.cmpi eq, %shift_right_arithmetic3A_637, %eq3A_747 : vector<16xi32>
      %broadcast_in_dim3A_749 = vector.shape_cast %and3A_635 : vector<16xi32> to vector<16x1xi32>
      %gather3A_750 = vector.shape_cast %broadcast_in_dim3A_749 : vector<16x1xi32> to vector<16xi32>
      %gather3A_751 = tpu.dynamic_gather %get3A_351[%gather3A_750] in [0] : vector<16xf32>, vector<16xi32> -> vector<16xf32>
      %select_n3A_752 = arith.select %eq3A_748, %gather3A_751, %select_n3A_745 : vector<16xi1>, vector<16xf32>
      %mul3A_753 = arith.constant 16 : i32
      %mul3A_754 = arith.muli %scan3A_627, %mul3A_753 : i32
      %swap3A_755 = arith.constant 7 : i32
      %swap3A_756 = arith.index_cast %swap3A_755 : i32 to index
      %swap3A_757 = arith.index_cast %mul3A_754 : i32 to index
      %swap3A_758 = tpu.vector_load %arg7[%swap3A_756, %swap3A_757] {strides = array<i32>} : memref<16x512xf32, #tpu.memory_space<vmem>>, vector<1x16xf32>,
      %swap3A_759 = vector.shape_cast %swap3A_758 : vector<1x16xf32> to vector<16xf32>
      %swap3A_760 = vector.shape_cast %select_n3A_752 : vector<16xf32> to vector<1x16xf32>
      tpu.vector_store %arg7[%swap3A_756, %swap3A_757], %swap3A_760 {strides = array<i32>} : memref<16x512xf32, #tpu.memory_space<vmem>>, vector<1x16xf32>,
      %scan3A_761 = arith.constant 0 : i32
      scf.yield %scan3A_761 : i32
    }
    %scan3A_358 = arith.constant 32 : i32
    %dma_start3A_359 = arith.constant 4 : i32
    %dma_start3A_360 = arith.constant 0 : i32
    %dma_start3A_361 = tpu.memref_slice %arg7[%dma_start3A_359, %dma_start3A_360] : memref<16x512xf32, #tpu.memory_space<vmem>> -> memref<4x512xf32, #tpu.memory_space<vmem>>
    %dma_start3A_362 = arith.constant 4 : i32
    %dma_start3A_363 = tpu.memref_slice %arg4[%dma_start3A_362, %mul3A_2] : memref<16x16384xf32, #tpu.memory_space<hbm>> -> memref<4x512xf32, #tpu.memory_space<hbm>>
    %dma_start3A_364 = arith.constant 4 : i32
    %dma_start3A_365 = tpu.memref_slice %arg4[%dma_start3A_364, %mul3A_2] : memref<16x16384xf32, #tpu.memory_space<hbm>> -> memref<4x512xf32, #tpu.memory_space<hbm>>
    %dma_start3A_366 = arith.constant 4 : i32
    %dma_start3A_367 = arith.constant 0 : i32
    %dma_start3A_368 = tpu.memref_slice %arg7[%dma_start3A_366, %dma_start3A_367] : memref<16x512xf32, #tpu.memory_space<vmem>> -> memref<4x512xf32, #tpu.memory_space<vmem>>
    tpu.enqueue_dma source(%dma_start3A_368 : memref<4x512xf32, #tpu.memory_space<vmem>>) target(%dma_start3A_365 : memref<4x512xf32, #tpu.memory_space<hbm>>) target_semaphore(%arg13 : memref<!tpu.dma_semaphore, #tpu.memory_space<semaphore_mem>>)
    %dma_wait3A_369 = arith.constant 8 : i32
    %dma_wait3A_370 = arith.constant 0 : i32
    %dma_wait3A_371 = tpu.memref_slice %arg6[%dma_wait3A_369, %dma_wait3A_370] : memref<16x64xf32, #tpu.memory_space<vmem>> -> memref<4x64xf32, #tpu.memory_space<vmem>>
    %dma_wait3A_372 = arith.constant 8 : i32
    %dma_wait3A_373 = arith.constant 0 : i32
    %dma_wait3A_374 = tpu.memref_slice %arg3[%dma_wait3A_372, %dma_wait3A_373] : memref<16x64xf32, #tpu.memory_space<hbm>> -> memref<4x64xf32, #tpu.memory_space<hbm>>
    %dma_wait3A_375 = arith.constant 8 : i32
    %dma_wait3A_376 = arith.constant 0 : i32
    %dma_wait3A_377 = tpu.memref_slice %arg6[%dma_wait3A_375, %dma_wait3A_376] : memref<16x64xf32, #tpu.memory_space<vmem>> -> memref<4x64xf32, #tpu.memory_space<vmem>>
    %dma_wait3A_378 = arith.constant 8 : i32
    %dma_wait3A_379 = arith.constant 0 : i32
    %dma_wait3A_380 = tpu.memref_slice %arg3[%dma_wait3A_378, %dma_wait3A_379] : memref<16x64xf32, #tpu.memory_space<hbm>> -> memref<4x64xf32, #tpu.memory_space<hbm>>
    tpu.wait_dma2 semaphore(%arg11 : memref<!tpu.dma_semaphore, #tpu.memory_space<semaphore_mem>>) src(%dma_wait3A_380 : memref<4x64xf32, #tpu.memory_space<hbm>>) dst(%dma_wait3A_377 : memref<4x64xf32, #tpu.memory_space<vmem>>)
    %get3A_381 = arith.constant 8 : i32
    %get3A_382 = arith.index_cast %get3A_381 : i32 to index
    %get3A_383 = arith.constant 0 : index
    %get3A_384 = tpu.vector_load %arg6[%get3A_382, %get3A_383] {strides = array<i32>} : memref<16x64xf32, #tpu.memory_space<vmem>>, vector<1x16xf32>,
    %get3A_385 = vector.shape_cast %get3A_384 : vector<1x16xf32> to vector<16xf32>
    %get3A_386 = arith.constant 8 : i32
    %get3A_387 = arith.index_cast %get3A_386 : i32 to index
    %get3A_388 = arith.constant 16 : index
    %get3A_389 = tpu.vector_load %arg6[%get3A_387, %get3A_388] {strides = array<i32>} : memref<16x64xf32, #tpu.memory_space<vmem>>, vector<1x16xf32>,
    %get3A_390 = vector.shape_cast %get3A_389 : vector<1x16xf32> to vector<16xf32>
    %get3A_391 = arith.constant 8 : i32
    %get3A_392 = arith.index_cast %get3A_391 : i32 to index
    %get3A_393 = arith.constant 32 : index
    %get3A_394 = tpu.vector_load %arg6[%get3A_392, %get3A_393] {strides = array<i32>} : memref<16x64xf32, #tpu.memory_space<vmem>>, vector<1x16xf32>,
    %get3A_395 = vector.shape_cast %get3A_394 : vector<1x16xf32> to vector<16xf32>
    %get3A_396 = arith.constant 8 : i32
    %get3A_397 = arith.index_cast %get3A_396 : i32 to index
    %get3A_398 = arith.constant 48 : index
    %get3A_399 = tpu.vector_load %arg6[%get3A_397, %get3A_398] {strides = array<i32>} : memref<16x64xf32, #tpu.memory_space<vmem>>, vector<1x16xf32>,
    %get3A_400 = vector.shape_cast %get3A_399 : vector<1x16xf32> to vector<16xf32>
    %get3A_401 = arith.constant 9 : i32
    %get3A_402 = arith.index_cast %get3A_401 : i32 to index
    %get3A_403 = arith.constant 0 : index
    %get3A_404 = tpu.vector_load %arg6[%get3A_402, %get3A_403] {strides = array<i32>} : memref<16x64xf32, #tpu.memory_space<vmem>>, vector<1x16xf32>,
    %get3A_405 = vector.shape_cast %get3A_404 : vector<1x16xf32> to vector<16xf32>
    %get3A_406 = arith.constant 9 : i32
    %get3A_407 = arith.index_cast %get3A_406 : i32 to index
    %get3A_408 = arith.constant 16 : index
    %get3A_409 = tpu.vector_load %arg6[%get3A_407, %get3A_408] {strides = array<i32>} : memref<16x64xf32, #tpu.memory_space<vmem>>, vector<1x16xf32>,
    %get3A_410 = vector.shape_cast %get3A_409 : vector<1x16xf32> to vector<16xf32>
    %get3A_411 = arith.constant 9 : i32
    %get3A_412 = arith.index_cast %get3A_411 : i32 to index
    %get3A_413 = arith.constant 32 : index
    %get3A_414 = tpu.vector_load %arg6[%get3A_412, %get3A_413] {strides = array<i32>} : memref<16x64xf32, #tpu.memory_space<vmem>>, vector<1x16xf32>,
    %get3A_415 = vector.shape_cast %get3A_414 : vector<1x16xf32> to vector<16xf32>
    %get3A_416 = arith.constant 9 : i32
    %get3A_417 = arith.index_cast %get3A_416 : i32 to index
    %get3A_418 = arith.constant 48 : index
    %get3A_419 = tpu.vector_load %arg6[%get3A_417, %get3A_418] {strides = array<i32>} : memref<16x64xf32, #tpu.memory_space<vmem>>, vector<1x16xf32>,
    %get3A_420 = vector.shape_cast %get3A_419 : vector<1x16xf32> to vector<16xf32>
    %get3A_421 = arith.constant 10 : i32
    %get3A_422 = arith.index_cast %get3A_421 : i32 to index
    %get3A_423 = arith.constant 0 : index
    %get3A_424 = tpu.vector_load %arg6[%get3A_422, %get3A_423] {strides = array<i32>} : memref<16x64xf32, #tpu.memory_space<vmem>>, vector<1x16xf32>,
    %get3A_425 = vector.shape_cast %get3A_424 : vector<1x16xf32> to vector<16xf32>
    %get3A_426 = arith.constant 10 : i32
    %get3A_427 = arith.index_cast %get3A_426 : i32 to index
    %get3A_428 = arith.constant 16 : index
    %get3A_429 = tpu.vector_load %arg6[%get3A_427, %get3A_428] {strides = array<i32>} : memref<16x64xf32, #tpu.memory_space<vmem>>, vector<1x16xf32>,
    %get3A_430 = vector.shape_cast %get3A_429 : vector<1x16xf32> to vector<16xf32>
    %get3A_431 = arith.constant 10 : i32
    %get3A_432 = arith.index_cast %get3A_431 : i32 to index
    %get3A_433 = arith.constant 32 : index
    %get3A_434 = tpu.vector_load %arg6[%get3A_432, %get3A_433] {strides = array<i32>} : memref<16x64xf32, #tpu.memory_space<vmem>>, vector<1x16xf32>,
    %get3A_435 = vector.shape_cast %get3A_434 : vector<1x16xf32> to vector<16xf32>
    %get3A_436 = arith.constant 10 : i32
    %get3A_437 = arith.index_cast %get3A_436 : i32 to index
    %get3A_438 = arith.constant 48 : index
    %get3A_439 = tpu.vector_load %arg6[%get3A_437, %get3A_438] {strides = array<i32>} : memref<16x64xf32, #tpu.memory_space<vmem>>, vector<1x16xf32>,
    %get3A_440 = vector.shape_cast %get3A_439 : vector<1x16xf32> to vector<16xf32>
    %get3A_441 = arith.constant 11 : i32
    %get3A_442 = arith.index_cast %get3A_441 : i32 to index
    %get3A_443 = arith.constant 0 : index
    %get3A_444 = tpu.vector_load %arg6[%get3A_442, %get3A_443] {strides = array<i32>} : memref<16x64xf32, #tpu.memory_space<vmem>>, vector<1x16xf32>,
    %get3A_445 = vector.shape_cast %get3A_444 : vector<1x16xf32> to vector<16xf32>
    %get3A_446 = arith.constant 11 : i32
    %get3A_447 = arith.index_cast %get3A_446 : i32 to index
    %get3A_448 = arith.constant 16 : index
    %get3A_449 = tpu.vector_load %arg6[%get3A_447, %get3A_448] {strides = array<i32>} : memref<16x64xf32, #tpu.memory_space<vmem>>, vector<1x16xf32>,
    %get3A_450 = vector.shape_cast %get3A_449 : vector<1x16xf32> to vector<16xf32>
    %get3A_451 = arith.constant 11 : i32
    %get3A_452 = arith.index_cast %get3A_451 : i32 to index
    %get3A_453 = arith.constant 32 : index
    %get3A_454 = tpu.vector_load %arg6[%get3A_452, %get3A_453] {strides = array<i32>} : memref<16x64xf32, #tpu.memory_space<vmem>>, vector<1x16xf32>,
    %get3A_455 = vector.shape_cast %get3A_454 : vector<1x16xf32> to vector<16xf32>
    %get3A_456 = arith.constant 11 : i32
    %get3A_457 = arith.index_cast %get3A_456 : i32 to index
    %get3A_458 = arith.constant 48 : index
    %get3A_459 = tpu.vector_load %arg6[%get3A_457, %get3A_458] {strides = array<i32>} : memref<16x64xf32, #tpu.memory_space<vmem>>, vector<1x16xf32>,
    %get3A_460 = vector.shape_cast %get3A_459 : vector<1x16xf32> to vector<16xf32>
    %scan3A_461 = arith.constant 0 : i32
    %scan3A_462 = arith.constant 0 : i32
    %scan3A_463 = arith.constant 32 : i32
    %scan3A_464 = arith.addi %scan3A_462, %scan3A_463 : i32
    %scan3A_465 = arith.constant 1 : i32
    %scan3A_466 = scf.for %scan3A_627 = %scan3A_462 to %scan3A_464 step %scan3A_465 iter_args(%scan3A_628 = %scan3A_461) -> (i32)  : i32 {
      %mul3A_629 = arith.constant 16 : i32
      %mul3A_630 = arith.muli %scan3A_627, %mul3A_629 : i32
      %get3A_631 = arith.index_cast %mul3A_630 : i32 to index
      %get3A_632 = tpu.vector_load %arg5[%get3A_631] {strides = array<i32>} : memref<512xi32, #tpu.memory_space<vmem>>, vector<16xi32>,
      %get3A_633 = vector.shape_cast %get3A_632 : vector<16xi32> to vector<16xi32>
      %and3A = arith.constant 15 : i32
      %and3A_634 = vector.broadcast %and3A : i32 to vector<16xi32>
      %and3A_635 = arith.andi %get3A_633, %and3A_634 : vector<16xi32>
      %shift_right_arithmetic3A = arith.constant 4 : i32
      %shift_right_arithmetic3A_636 = vector.broadcast %shift_right_arithmetic3A : i32 to vector<16xi32>
      %shift_right_arithmetic3A_637 = arith.shrsi %get3A_633, %shift_right_arithmetic3A_636 : vector<16xi32>
      %broadcast_in_dim3A = vector.shape_cast %and3A_635 : vector<16xi32> to vector<16x1xi32>
      %gather3A = vector.shape_cast %broadcast_in_dim3A : vector<16x1xi32> to vector<16xi32>
      %gather3A_638 = tpu.dynamic_gather %get3A_385[%gather3A] in [0] : vector<16xf32>, vector<16xi32> -> vector<16xf32>
      %eq3A = arith.constant 1 : i32
      %eq3A_639 = vector.broadcast %eq3A : i32 to vector<16xi32>
      %eq3A_640 = arith.cmpi eq, %shift_right_arithmetic3A_637, %eq3A_639 : vector<16xi32>
      %broadcast_in_dim3A_641 = vector.shape_cast %and3A_635 : vector<16xi32> to vector<16x1xi32>
      %gather3A_642 = vector.shape_cast %broadcast_in_dim3A_641 : vector<16x1xi32> to vector<16xi32>
      %gather3A_643 = tpu.dynamic_gather %get3A_390[%gather3A_642] in [0] : vector<16xf32>, vector<16xi32> -> vector<16xf32>
      %select_n3A = arith.select %eq3A_640, %gather3A_643, %gather3A_638 : vector<16xi1>, vector<16xf32>
      %eq3A_644 = arith.constant 2 : i32
      %eq3A_645 = vector.broadcast %eq3A_644 : i32 to vector<16xi32>
      %eq3A_646 = arith.cmpi eq, %shift_right_arithmetic3A_637, %eq3A_645 : vector<16xi32>
      %broadcast_in_dim3A_647 = vector.shape_cast %and3A_635 : vector<16xi32> to vector<16x1xi32>
      %gather3A_648 = vector.shape_cast %broadcast_in_dim3A_647 : vector<16x1xi32> to vector<16xi32>
      %gather3A_649 = tpu.dynamic_gather %get3A_395[%gather3A_648] in [0] : vector<16xf32>, vector<16xi32> -> vector<16xf32>
      %select_n3A_650 = arith.select %eq3A_646, %gather3A_649, %select_n3A : vector<16xi1>, vector<16xf32>
      %eq3A_651 = arith.constant 3 : i32
      %eq3A_652 = vector.broadcast %eq3A_651 : i32 to vector<16xi32>
      %eq3A_653 = arith.cmpi eq, %shift_right_arithmetic3A_637, %eq3A_652 : vector<16xi32>
      %broadcast_in_dim3A_654 = vector.shape_cast %and3A_635 : vector<16xi32> to vector<16x1xi32>
      %gather3A_655 = vector.shape_cast %broadcast_in_dim3A_654 : vector<16x1xi32> to vector<16xi32>
      %gather3A_656 = tpu.dynamic_gather %get3A_400[%gather3A_655] in [0] : vector<16xf32>, vector<16xi32> -> vector<16xf32>
      %select_n3A_657 = arith.select %eq3A_653, %gather3A_656, %select_n3A_650 : vector<16xi1>, vector<16xf32>
      %mul3A_658 = arith.constant 16 : i32
      %mul3A_659 = arith.muli %scan3A_627, %mul3A_658 : i32
      %swap3A = arith.constant 8 : i32
      %swap3A_660 = arith.index_cast %swap3A : i32 to index
      %swap3A_661 = arith.index_cast %mul3A_659 : i32 to index
      %swap3A_662 = tpu.vector_load %arg7[%swap3A_660, %swap3A_661] {strides = array<i32>} : memref<16x512xf32, #tpu.memory_space<vmem>>, vector<1x16xf32>,
      %swap3A_663 = vector.shape_cast %swap3A_662 : vector<1x16xf32> to vector<16xf32>
      %swap3A_664 = vector.shape_cast %select_n3A_657 : vector<16xf32> to vector<1x16xf32>
      tpu.vector_store %arg7[%swap3A_660, %swap3A_661], %swap3A_664 {strides = array<i32>} : memref<16x512xf32, #tpu.memory_space<vmem>>, vector<1x16xf32>,
      %broadcast_in_dim3A_665 = vector.shape_cast %and3A_635 : vector<16xi32> to vector<16x1xi32>
      %gather3A_666 = vector.shape_cast %broadcast_in_dim3A_665 : vector<16x1xi32> to vector<16xi32>
      %gather3A_667 = tpu.dynamic_gather %get3A_405[%gather3A_666] in [0] : vector<16xf32>, vector<16xi32> -> vector<16xf32>
      %eq3A_668 = arith.constant 1 : i32
      %eq3A_669 = vector.broadcast %eq3A_668 : i32 to vector<16xi32>
      %eq3A_670 = arith.cmpi eq, %shift_right_arithmetic3A_637, %eq3A_669 : vector<16xi32>
      %broadcast_in_dim3A_671 = vector.shape_cast %and3A_635 : vector<16xi32> to vector<16x1xi32>
      %gather3A_672 = vector.shape_cast %broadcast_in_dim3A_671 : vector<16x1xi32> to vector<16xi32>
      %gather3A_673 = tpu.dynamic_gather %get3A_410[%gather3A_672] in [0] : vector<16xf32>, vector<16xi32> -> vector<16xf32>
      %select_n3A_674 = arith.select %eq3A_670, %gather3A_673, %gather3A_667 : vector<16xi1>, vector<16xf32>
      %eq3A_675 = arith.constant 2 : i32
      %eq3A_676 = vector.broadcast %eq3A_675 : i32 to vector<16xi32>
      %eq3A_677 = arith.cmpi eq, %shift_right_arithmetic3A_637, %eq3A_676 : vector<16xi32>
      %broadcast_in_dim3A_678 = vector.shape_cast %and3A_635 : vector<16xi32> to vector<16x1xi32>
      %gather3A_679 = vector.shape_cast %broadcast_in_dim3A_678 : vector<16x1xi32> to vector<16xi32>
      %gather3A_680 = tpu.dynamic_gather %get3A_415[%gather3A_679] in [0] : vector<16xf32>, vector<16xi32> -> vector<16xf32>
      %select_n3A_681 = arith.select %eq3A_677, %gather3A_680, %select_n3A_674 : vector<16xi1>, vector<16xf32>
      %eq3A_682 = arith.constant 3 : i32
      %eq3A_683 = vector.broadcast %eq3A_682 : i32 to vector<16xi32>
      %eq3A_684 = arith.cmpi eq, %shift_right_arithmetic3A_637, %eq3A_683 : vector<16xi32>
      %broadcast_in_dim3A_685 = vector.shape_cast %and3A_635 : vector<16xi32> to vector<16x1xi32>
      %gather3A_686 = vector.shape_cast %broadcast_in_dim3A_685 : vector<16x1xi32> to vector<16xi32>
      %gather3A_687 = tpu.dynamic_gather %get3A_420[%gather3A_686] in [0] : vector<16xf32>, vector<16xi32> -> vector<16xf32>
      %select_n3A_688 = arith.select %eq3A_684, %gather3A_687, %select_n3A_681 : vector<16xi1>, vector<16xf32>
      %mul3A_689 = arith.constant 16 : i32
      %mul3A_690 = arith.muli %scan3A_627, %mul3A_689 : i32
      %swap3A_691 = arith.constant 9 : i32
      %swap3A_692 = arith.index_cast %swap3A_691 : i32 to index
      %swap3A_693 = arith.index_cast %mul3A_690 : i32 to index
      %swap3A_694 = tpu.vector_load %arg7[%swap3A_692, %swap3A_693] {strides = array<i32>} : memref<16x512xf32, #tpu.memory_space<vmem>>, vector<1x16xf32>,
      %swap3A_695 = vector.shape_cast %swap3A_694 : vector<1x16xf32> to vector<16xf32>
      %swap3A_696 = vector.shape_cast %select_n3A_688 : vector<16xf32> to vector<1x16xf32>
      tpu.vector_store %arg7[%swap3A_692, %swap3A_693], %swap3A_696 {strides = array<i32>} : memref<16x512xf32, #tpu.memory_space<vmem>>, vector<1x16xf32>,
      %broadcast_in_dim3A_697 = vector.shape_cast %and3A_635 : vector<16xi32> to vector<16x1xi32>
      %gather3A_698 = vector.shape_cast %broadcast_in_dim3A_697 : vector<16x1xi32> to vector<16xi32>
      %gather3A_699 = tpu.dynamic_gather %get3A_425[%gather3A_698] in [0] : vector<16xf32>, vector<16xi32> -> vector<16xf32>
      %eq3A_700 = arith.constant 1 : i32
      %eq3A_701 = vector.broadcast %eq3A_700 : i32 to vector<16xi32>
      %eq3A_702 = arith.cmpi eq, %shift_right_arithmetic3A_637, %eq3A_701 : vector<16xi32>
      %broadcast_in_dim3A_703 = vector.shape_cast %and3A_635 : vector<16xi32> to vector<16x1xi32>
      %gather3A_704 = vector.shape_cast %broadcast_in_dim3A_703 : vector<16x1xi32> to vector<16xi32>
      %gather3A_705 = tpu.dynamic_gather %get3A_430[%gather3A_704] in [0] : vector<16xf32>, vector<16xi32> -> vector<16xf32>
      %select_n3A_706 = arith.select %eq3A_702, %gather3A_705, %gather3A_699 : vector<16xi1>, vector<16xf32>
      %eq3A_707 = arith.constant 2 : i32
      %eq3A_708 = vector.broadcast %eq3A_707 : i32 to vector<16xi32>
      %eq3A_709 = arith.cmpi eq, %shift_right_arithmetic3A_637, %eq3A_708 : vector<16xi32>
      %broadcast_in_dim3A_710 = vector.shape_cast %and3A_635 : vector<16xi32> to vector<16x1xi32>
      %gather3A_711 = vector.shape_cast %broadcast_in_dim3A_710 : vector<16x1xi32> to vector<16xi32>
      %gather3A_712 = tpu.dynamic_gather %get3A_435[%gather3A_711] in [0] : vector<16xf32>, vector<16xi32> -> vector<16xf32>
      %select_n3A_713 = arith.select %eq3A_709, %gather3A_712, %select_n3A_706 : vector<16xi1>, vector<16xf32>
      %eq3A_714 = arith.constant 3 : i32
      %eq3A_715 = vector.broadcast %eq3A_714 : i32 to vector<16xi32>
      %eq3A_716 = arith.cmpi eq, %shift_right_arithmetic3A_637, %eq3A_715 : vector<16xi32>
      %broadcast_in_dim3A_717 = vector.shape_cast %and3A_635 : vector<16xi32> to vector<16x1xi32>
      %gather3A_718 = vector.shape_cast %broadcast_in_dim3A_717 : vector<16x1xi32> to vector<16xi32>
      %gather3A_719 = tpu.dynamic_gather %get3A_440[%gather3A_718] in [0] : vector<16xf32>, vector<16xi32> -> vector<16xf32>
      %select_n3A_720 = arith.select %eq3A_716, %gather3A_719, %select_n3A_713 : vector<16xi1>, vector<16xf32>
      %mul3A_721 = arith.constant 16 : i32
      %mul3A_722 = arith.muli %scan3A_627, %mul3A_721 : i32
      %swap3A_723 = arith.constant 10 : i32
      %swap3A_724 = arith.index_cast %swap3A_723 : i32 to index
      %swap3A_725 = arith.index_cast %mul3A_722 : i32 to index
      %swap3A_726 = tpu.vector_load %arg7[%swap3A_724, %swap3A_725] {strides = array<i32>} : memref<16x512xf32, #tpu.memory_space<vmem>>, vector<1x16xf32>,
      %swap3A_727 = vector.shape_cast %swap3A_726 : vector<1x16xf32> to vector<16xf32>
      %swap3A_728 = vector.shape_cast %select_n3A_720 : vector<16xf32> to vector<1x16xf32>
      tpu.vector_store %arg7[%swap3A_724, %swap3A_725], %swap3A_728 {strides = array<i32>} : memref<16x512xf32, #tpu.memory_space<vmem>>, vector<1x16xf32>,
      %broadcast_in_dim3A_729 = vector.shape_cast %and3A_635 : vector<16xi32> to vector<16x1xi32>
      %gather3A_730 = vector.shape_cast %broadcast_in_dim3A_729 : vector<16x1xi32> to vector<16xi32>
      %gather3A_731 = tpu.dynamic_gather %get3A_445[%gather3A_730] in [0] : vector<16xf32>, vector<16xi32> -> vector<16xf32>
      %eq3A_732 = arith.constant 1 : i32
      %eq3A_733 = vector.broadcast %eq3A_732 : i32 to vector<16xi32>
      %eq3A_734 = arith.cmpi eq, %shift_right_arithmetic3A_637, %eq3A_733 : vector<16xi32>
      %broadcast_in_dim3A_735 = vector.shape_cast %and3A_635 : vector<16xi32> to vector<16x1xi32>
      %gather3A_736 = vector.shape_cast %broadcast_in_dim3A_735 : vector<16x1xi32> to vector<16xi32>
      %gather3A_737 = tpu.dynamic_gather %get3A_450[%gather3A_736] in [0] : vector<16xf32>, vector<16xi32> -> vector<16xf32>
      %select_n3A_738 = arith.select %eq3A_734, %gather3A_737, %gather3A_731 : vector<16xi1>, vector<16xf32>
      %eq3A_739 = arith.constant 2 : i32
      %eq3A_740 = vector.broadcast %eq3A_739 : i32 to vector<16xi32>
      %eq3A_741 = arith.cmpi eq, %shift_right_arithmetic3A_637, %eq3A_740 : vector<16xi32>
      %broadcast_in_dim3A_742 = vector.shape_cast %and3A_635 : vector<16xi32> to vector<16x1xi32>
      %gather3A_743 = vector.shape_cast %broadcast_in_dim3A_742 : vector<16x1xi32> to vector<16xi32>
      %gather3A_744 = tpu.dynamic_gather %get3A_455[%gather3A_743] in [0] : vector<16xf32>, vector<16xi32> -> vector<16xf32>
      %select_n3A_745 = arith.select %eq3A_741, %gather3A_744, %select_n3A_738 : vector<16xi1>, vector<16xf32>
      %eq3A_746 = arith.constant 3 : i32
      %eq3A_747 = vector.broadcast %eq3A_746 : i32 to vector<16xi32>
      %eq3A_748 = arith.cmpi eq, %shift_right_arithmetic3A_637, %eq3A_747 : vector<16xi32>
      %broadcast_in_dim3A_749 = vector.shape_cast %and3A_635 : vector<16xi32> to vector<16x1xi32>
      %gather3A_750 = vector.shape_cast %broadcast_in_dim3A_749 : vector<16x1xi32> to vector<16xi32>
      %gather3A_751 = tpu.dynamic_gather %get3A_460[%gather3A_750] in [0] : vector<16xf32>, vector<16xi32> -> vector<16xf32>
      %select_n3A_752 = arith.select %eq3A_748, %gather3A_751, %select_n3A_745 : vector<16xi1>, vector<16xf32>
      %mul3A_753 = arith.constant 16 : i32
      %mul3A_754 = arith.muli %scan3A_627, %mul3A_753 : i32
      %swap3A_755 = arith.constant 11 : i32
      %swap3A_756 = arith.index_cast %swap3A_755 : i32 to index
      %swap3A_757 = arith.index_cast %mul3A_754 : i32 to index
      %swap3A_758 = tpu.vector_load %arg7[%swap3A_756, %swap3A_757] {strides = array<i32>} : memref<16x512xf32, #tpu.memory_space<vmem>>, vector<1x16xf32>,
      %swap3A_759 = vector.shape_cast %swap3A_758 : vector<1x16xf32> to vector<16xf32>
      %swap3A_760 = vector.shape_cast %select_n3A_752 : vector<16xf32> to vector<1x16xf32>
      tpu.vector_store %arg7[%swap3A_756, %swap3A_757], %swap3A_760 {strides = array<i32>} : memref<16x512xf32, #tpu.memory_space<vmem>>, vector<1x16xf32>,
      %scan3A_761 = arith.constant 0 : i32
      scf.yield %scan3A_761 : i32
    }
    %scan3A_467 = arith.constant 32 : i32
    %dma_start3A_468 = arith.constant 8 : i32
    %dma_start3A_469 = arith.constant 0 : i32
    %dma_start3A_470 = tpu.memref_slice %arg7[%dma_start3A_468, %dma_start3A_469] : memref<16x512xf32, #tpu.memory_space<vmem>> -> memref<4x512xf32, #tpu.memory_space<vmem>>
    %dma_start3A_471 = arith.constant 8 : i32
    %dma_start3A_472 = tpu.memref_slice %arg4[%dma_start3A_471, %mul3A_2] : memref<16x16384xf32, #tpu.memory_space<hbm>> -> memref<4x512xf32, #tpu.memory_space<hbm>>
    %dma_start3A_473 = arith.constant 8 : i32
    %dma_start3A_474 = tpu.memref_slice %arg4[%dma_start3A_473, %mul3A_2] : memref<16x16384xf32, #tpu.memory_space<hbm>> -> memref<4x512xf32, #tpu.memory_space<hbm>>
    %dma_start3A_475 = arith.constant 8 : i32
    %dma_start3A_476 = arith.constant 0 : i32
    %dma_start3A_477 = tpu.memref_slice %arg7[%dma_start3A_475, %dma_start3A_476] : memref<16x512xf32, #tpu.memory_space<vmem>> -> memref<4x512xf32, #tpu.memory_space<vmem>>
    tpu.enqueue_dma source(%dma_start3A_477 : memref<4x512xf32, #tpu.memory_space<vmem>>) target(%dma_start3A_474 : memref<4x512xf32, #tpu.memory_space<hbm>>) target_semaphore(%arg13 : memref<!tpu.dma_semaphore, #tpu.memory_space<semaphore_mem>>)
    %dma_wait3A_478 = arith.constant 12 : i32
    %dma_wait3A_479 = arith.constant 0 : i32
    %dma_wait3A_480 = tpu.memref_slice %arg6[%dma_wait3A_478, %dma_wait3A_479] : memref<16x64xf32, #tpu.memory_space<vmem>> -> memref<4x64xf32, #tpu.memory_space<vmem>>
    %dma_wait3A_481 = arith.constant 12 : i32
    %dma_wait3A_482 = arith.constant 0 : i32
    %dma_wait3A_483 = tpu.memref_slice %arg3[%dma_wait3A_481, %dma_wait3A_482] : memref<16x64xf32, #tpu.memory_space<hbm>> -> memref<4x64xf32, #tpu.memory_space<hbm>>
    %dma_wait3A_484 = arith.constant 12 : i32
    %dma_wait3A_485 = arith.constant 0 : i32
    %dma_wait3A_486 = tpu.memref_slice %arg6[%dma_wait3A_484, %dma_wait3A_485] : memref<16x64xf32, #tpu.memory_space<vmem>> -> memref<4x64xf32, #tpu.memory_space<vmem>>
    %dma_wait3A_487 = arith.constant 12 : i32
    %dma_wait3A_488 = arith.constant 0 : i32
    %dma_wait3A_489 = tpu.memref_slice %arg3[%dma_wait3A_487, %dma_wait3A_488] : memref<16x64xf32, #tpu.memory_space<hbm>> -> memref<4x64xf32, #tpu.memory_space<hbm>>
    tpu.wait_dma2 semaphore(%arg12 : memref<!tpu.dma_semaphore, #tpu.memory_space<semaphore_mem>>) src(%dma_wait3A_489 : memref<4x64xf32, #tpu.memory_space<hbm>>) dst(%dma_wait3A_486 : memref<4x64xf32, #tpu.memory_space<vmem>>)
    %get3A_490 = arith.constant 12 : i32
    %get3A_491 = arith.index_cast %get3A_490 : i32 to index
    %get3A_492 = arith.constant 0 : index
    %get3A_493 = tpu.vector_load %arg6[%get3A_491, %get3A_492] {strides = array<i32>} : memref<16x64xf32, #tpu.memory_space<vmem>>, vector<1x16xf32>,
    %get3A_494 = vector.shape_cast %get3A_493 : vector<1x16xf32> to vector<16xf32>
    %get3A_495 = arith.constant 12 : i32
    %get3A_496 = arith.index_cast %get3A_495 : i32 to index
    %get3A_497 = arith.constant 16 : index
    %get3A_498 = tpu.vector_load %arg6[%get3A_496, %get3A_497] {strides = array<i32>} : memref<16x64xf32, #tpu.memory_space<vmem>>, vector<1x16xf32>,
    %get3A_499 = vector.shape_cast %get3A_498 : vector<1x16xf32> to vector<16xf32>
    %get3A_500 = arith.constant 12 : i32
    %get3A_501 = arith.index_cast %get3A_500 : i32 to index
    %get3A_502 = arith.constant 32 : index
    %get3A_503 = tpu.vector_load %arg6[%get3A_501, %get3A_502] {strides = array<i32>} : memref<16x64xf32, #tpu.memory_space<vmem>>, vector<1x16xf32>,
    %get3A_504 = vector.shape_cast %get3A_503 : vector<1x16xf32> to vector<16xf32>
    %get3A_505 = arith.constant 12 : i32
    %get3A_506 = arith.index_cast %get3A_505 : i32 to index
    %get3A_507 = arith.constant 48 : index
    %get3A_508 = tpu.vector_load %arg6[%get3A_506, %get3A_507] {strides = array<i32>} : memref<16x64xf32, #tpu.memory_space<vmem>>, vector<1x16xf32>,
    %get3A_509 = vector.shape_cast %get3A_508 : vector<1x16xf32> to vector<16xf32>
    %get3A_510 = arith.constant 13 : i32
    %get3A_511 = arith.index_cast %get3A_510 : i32 to index
    %get3A_512 = arith.constant 0 : index
    %get3A_513 = tpu.vector_load %arg6[%get3A_511, %get3A_512] {strides = array<i32>} : memref<16x64xf32, #tpu.memory_space<vmem>>, vector<1x16xf32>,
    %get3A_514 = vector.shape_cast %get3A_513 : vector<1x16xf32> to vector<16xf32>
    %get3A_515 = arith.constant 13 : i32
    %get3A_516 = arith.index_cast %get3A_515 : i32 to index
    %get3A_517 = arith.constant 16 : index
    %get3A_518 = tpu.vector_load %arg6[%get3A_516, %get3A_517] {strides = array<i32>} : memref<16x64xf32, #tpu.memory_space<vmem>>, vector<1x16xf32>,
    %get3A_519 = vector.shape_cast %get3A_518 : vector<1x16xf32> to vector<16xf32>
    %get3A_520 = arith.constant 13 : i32
    %get3A_521 = arith.index_cast %get3A_520 : i32 to index
    %get3A_522 = arith.constant 32 : index
    %get3A_523 = tpu.vector_load %arg6[%get3A_521, %get3A_522] {strides = array<i32>} : memref<16x64xf32, #tpu.memory_space<vmem>>, vector<1x16xf32>,
    %get3A_524 = vector.shape_cast %get3A_523 : vector<1x16xf32> to vector<16xf32>
    %get3A_525 = arith.constant 13 : i32
    %get3A_526 = arith.index_cast %get3A_525 : i32 to index
    %get3A_527 = arith.constant 48 : index
    %get3A_528 = tpu.vector_load %arg6[%get3A_526, %get3A_527] {strides = array<i32>} : memref<16x64xf32, #tpu.memory_space<vmem>>, vector<1x16xf32>,
    %get3A_529 = vector.shape_cast %get3A_528 : vector<1x16xf32> to vector<16xf32>
    %get3A_530 = arith.constant 14 : i32
    %get3A_531 = arith.index_cast %get3A_530 : i32 to index
    %get3A_532 = arith.constant 0 : index
    %get3A_533 = tpu.vector_load %arg6[%get3A_531, %get3A_532] {strides = array<i32>} : memref<16x64xf32, #tpu.memory_space<vmem>>, vector<1x16xf32>,
    %get3A_534 = vector.shape_cast %get3A_533 : vector<1x16xf32> to vector<16xf32>
    %get3A_535 = arith.constant 14 : i32
    %get3A_536 = arith.index_cast %get3A_535 : i32 to index
    %get3A_537 = arith.constant 16 : index
    %get3A_538 = tpu.vector_load %arg6[%get3A_536, %get3A_537] {strides = array<i32>} : memref<16x64xf32, #tpu.memory_space<vmem>>, vector<1x16xf32>,
    %get3A_539 = vector.shape_cast %get3A_538 : vector<1x16xf32> to vector<16xf32>
    %get3A_540 = arith.constant 14 : i32
    %get3A_541 = arith.index_cast %get3A_540 : i32 to index
    %get3A_542 = arith.constant 32 : index
    %get3A_543 = tpu.vector_load %arg6[%get3A_541, %get3A_542] {strides = array<i32>} : memref<16x64xf32, #tpu.memory_space<vmem>>, vector<1x16xf32>,
    %get3A_544 = vector.shape_cast %get3A_543 : vector<1x16xf32> to vector<16xf32>
    %get3A_545 = arith.constant 14 : i32
    %get3A_546 = arith.index_cast %get3A_545 : i32 to index
    %get3A_547 = arith.constant 48 : index
    %get3A_548 = tpu.vector_load %arg6[%get3A_546, %get3A_547] {strides = array<i32>} : memref<16x64xf32, #tpu.memory_space<vmem>>, vector<1x16xf32>,
    %get3A_549 = vector.shape_cast %get3A_548 : vector<1x16xf32> to vector<16xf32>
    %get3A_550 = arith.constant 15 : i32
    %get3A_551 = arith.index_cast %get3A_550 : i32 to index
    %get3A_552 = arith.constant 0 : index
    %get3A_553 = tpu.vector_load %arg6[%get3A_551, %get3A_552] {strides = array<i32>} : memref<16x64xf32, #tpu.memory_space<vmem>>, vector<1x16xf32>,
    %get3A_554 = vector.shape_cast %get3A_553 : vector<1x16xf32> to vector<16xf32>
    %get3A_555 = arith.constant 15 : i32
    %get3A_556 = arith.index_cast %get3A_555 : i32 to index
    %get3A_557 = arith.constant 16 : index
    %get3A_558 = tpu.vector_load %arg6[%get3A_556, %get3A_557] {strides = array<i32>} : memref<16x64xf32, #tpu.memory_space<vmem>>, vector<1x16xf32>,
    %get3A_559 = vector.shape_cast %get3A_558 : vector<1x16xf32> to vector<16xf32>
    %get3A_560 = arith.constant 15 : i32
    %get3A_561 = arith.index_cast %get3A_560 : i32 to index
    %get3A_562 = arith.constant 32 : index
    %get3A_563 = tpu.vector_load %arg6[%get3A_561, %get3A_562] {strides = array<i32>} : memref<16x64xf32, #tpu.memory_space<vmem>>, vector<1x16xf32>,
    %get3A_564 = vector.shape_cast %get3A_563 : vector<1x16xf32> to vector<16xf32>
    %get3A_565 = arith.constant 15 : i32
    %get3A_566 = arith.index_cast %get3A_565 : i32 to index
    %get3A_567 = arith.constant 48 : index
    %get3A_568 = tpu.vector_load %arg6[%get3A_566, %get3A_567] {strides = array<i32>} : memref<16x64xf32, #tpu.memory_space<vmem>>, vector<1x16xf32>,
    %get3A_569 = vector.shape_cast %get3A_568 : vector<1x16xf32> to vector<16xf32>
    %scan3A_570 = arith.constant 0 : i32
    %scan3A_571 = arith.constant 0 : i32
    %scan3A_572 = arith.constant 32 : i32
    %scan3A_573 = arith.addi %scan3A_571, %scan3A_572 : i32
    %scan3A_574 = arith.constant 1 : i32
    %scan3A_575 = scf.for %scan3A_627 = %scan3A_571 to %scan3A_573 step %scan3A_574 iter_args(%scan3A_628 = %scan3A_570) -> (i32)  : i32 {
      %mul3A_629 = arith.constant 16 : i32
      %mul3A_630 = arith.muli %scan3A_627, %mul3A_629 : i32
      %get3A_631 = arith.index_cast %mul3A_630 : i32 to index
      %get3A_632 = tpu.vector_load %arg5[%get3A_631] {strides = array<i32>} : memref<512xi32, #tpu.memory_space<vmem>>, vector<16xi32>,
      %get3A_633 = vector.shape_cast %get3A_632 : vector<16xi32> to vector<16xi32>
      %and3A = arith.constant 15 : i32
      %and3A_634 = vector.broadcast %and3A : i32 to vector<16xi32>
      %and3A_635 = arith.andi %get3A_633, %and3A_634 : vector<16xi32>
      %shift_right_arithmetic3A = arith.constant 4 : i32
      %shift_right_arithmetic3A_636 = vector.broadcast %shift_right_arithmetic3A : i32 to vector<16xi32>
      %shift_right_arithmetic3A_637 = arith.shrsi %get3A_633, %shift_right_arithmetic3A_636 : vector<16xi32>
      %broadcast_in_dim3A = vector.shape_cast %and3A_635 : vector<16xi32> to vector<16x1xi32>
      %gather3A = vector.shape_cast %broadcast_in_dim3A : vector<16x1xi32> to vector<16xi32>
      %gather3A_638 = tpu.dynamic_gather %get3A_494[%gather3A] in [0] : vector<16xf32>, vector<16xi32> -> vector<16xf32>
      %eq3A = arith.constant 1 : i32
      %eq3A_639 = vector.broadcast %eq3A : i32 to vector<16xi32>
      %eq3A_640 = arith.cmpi eq, %shift_right_arithmetic3A_637, %eq3A_639 : vector<16xi32>
      %broadcast_in_dim3A_641 = vector.shape_cast %and3A_635 : vector<16xi32> to vector<16x1xi32>
      %gather3A_642 = vector.shape_cast %broadcast_in_dim3A_641 : vector<16x1xi32> to vector<16xi32>
      %gather3A_643 = tpu.dynamic_gather %get3A_499[%gather3A_642] in [0] : vector<16xf32>, vector<16xi32> -> vector<16xf32>
      %select_n3A = arith.select %eq3A_640, %gather3A_643, %gather3A_638 : vector<16xi1>, vector<16xf32>
      %eq3A_644 = arith.constant 2 : i32
      %eq3A_645 = vector.broadcast %eq3A_644 : i32 to vector<16xi32>
      %eq3A_646 = arith.cmpi eq, %shift_right_arithmetic3A_637, %eq3A_645 : vector<16xi32>
      %broadcast_in_dim3A_647 = vector.shape_cast %and3A_635 : vector<16xi32> to vector<16x1xi32>
      %gather3A_648 = vector.shape_cast %broadcast_in_dim3A_647 : vector<16x1xi32> to vector<16xi32>
      %gather3A_649 = tpu.dynamic_gather %get3A_504[%gather3A_648] in [0] : vector<16xf32>, vector<16xi32> -> vector<16xf32>
      %select_n3A_650 = arith.select %eq3A_646, %gather3A_649, %select_n3A : vector<16xi1>, vector<16xf32>
      %eq3A_651 = arith.constant 3 : i32
      %eq3A_652 = vector.broadcast %eq3A_651 : i32 to vector<16xi32>
      %eq3A_653 = arith.cmpi eq, %shift_right_arithmetic3A_637, %eq3A_652 : vector<16xi32>
      %broadcast_in_dim3A_654 = vector.shape_cast %and3A_635 : vector<16xi32> to vector<16x1xi32>
      %gather3A_655 = vector.shape_cast %broadcast_in_dim3A_654 : vector<16x1xi32> to vector<16xi32>
      %gather3A_656 = tpu.dynamic_gather %get3A_509[%gather3A_655] in [0] : vector<16xf32>, vector<16xi32> -> vector<16xf32>
      %select_n3A_657 = arith.select %eq3A_653, %gather3A_656, %select_n3A_650 : vector<16xi1>, vector<16xf32>
      %mul3A_658 = arith.constant 16 : i32
      %mul3A_659 = arith.muli %scan3A_627, %mul3A_658 : i32
      %swap3A = arith.constant 12 : i32
      %swap3A_660 = arith.index_cast %swap3A : i32 to index
      %swap3A_661 = arith.index_cast %mul3A_659 : i32 to index
      %swap3A_662 = tpu.vector_load %arg7[%swap3A_660, %swap3A_661] {strides = array<i32>} : memref<16x512xf32, #tpu.memory_space<vmem>>, vector<1x16xf32>,
      %swap3A_663 = vector.shape_cast %swap3A_662 : vector<1x16xf32> to vector<16xf32>
      %swap3A_664 = vector.shape_cast %select_n3A_657 : vector<16xf32> to vector<1x16xf32>
      tpu.vector_store %arg7[%swap3A_660, %swap3A_661], %swap3A_664 {strides = array<i32>} : memref<16x512xf32, #tpu.memory_space<vmem>>, vector<1x16xf32>,
      %broadcast_in_dim3A_665 = vector.shape_cast %and3A_635 : vector<16xi32> to vector<16x1xi32>
      %gather3A_666 = vector.shape_cast %broadcast_in_dim3A_665 : vector<16x1xi32> to vector<16xi32>
      %gather3A_667 = tpu.dynamic_gather %get3A_514[%gather3A_666] in [0] : vector<16xf32>, vector<16xi32> -> vector<16xf32>
      %eq3A_668 = arith.constant 1 : i32
      %eq3A_669 = vector.broadcast %eq3A_668 : i32 to vector<16xi32>
      %eq3A_670 = arith.cmpi eq, %shift_right_arithmetic3A_637, %eq3A_669 : vector<16xi32>
      %broadcast_in_dim3A_671 = vector.shape_cast %and3A_635 : vector<16xi32> to vector<16x1xi32>
      %gather3A_672 = vector.shape_cast %broadcast_in_dim3A_671 : vector<16x1xi32> to vector<16xi32>
      %gather3A_673 = tpu.dynamic_gather %get3A_519[%gather3A_672] in [0] : vector<16xf32>, vector<16xi32> -> vector<16xf32>
      %select_n3A_674 = arith.select %eq3A_670, %gather3A_673, %gather3A_667 : vector<16xi1>, vector<16xf32>
      %eq3A_675 = arith.constant 2 : i32
      %eq3A_676 = vector.broadcast %eq3A_675 : i32 to vector<16xi32>
      %eq3A_677 = arith.cmpi eq, %shift_right_arithmetic3A_637, %eq3A_676 : vector<16xi32>
      %broadcast_in_dim3A_678 = vector.shape_cast %and3A_635 : vector<16xi32> to vector<16x1xi32>
      %gather3A_679 = vector.shape_cast %broadcast_in_dim3A_678 : vector<16x1xi32> to vector<16xi32>
      %gather3A_680 = tpu.dynamic_gather %get3A_524[%gather3A_679] in [0] : vector<16xf32>, vector<16xi32> -> vector<16xf32>
      %select_n3A_681 = arith.select %eq3A_677, %gather3A_680, %select_n3A_674 : vector<16xi1>, vector<16xf32>
      %eq3A_682 = arith.constant 3 : i32
      %eq3A_683 = vector.broadcast %eq3A_682 : i32 to vector<16xi32>
      %eq3A_684 = arith.cmpi eq, %shift_right_arithmetic3A_637, %eq3A_683 : vector<16xi32>
      %broadcast_in_dim3A_685 = vector.shape_cast %and3A_635 : vector<16xi32> to vector<16x1xi32>
      %gather3A_686 = vector.shape_cast %broadcast_in_dim3A_685 : vector<16x1xi32> to vector<16xi32>
      %gather3A_687 = tpu.dynamic_gather %get3A_529[%gather3A_686] in [0] : vector<16xf32>, vector<16xi32> -> vector<16xf32>
      %select_n3A_688 = arith.select %eq3A_684, %gather3A_687, %select_n3A_681 : vector<16xi1>, vector<16xf32>
      %mul3A_689 = arith.constant 16 : i32
      %mul3A_690 = arith.muli %scan3A_627, %mul3A_689 : i32
      %swap3A_691 = arith.constant 13 : i32
      %swap3A_692 = arith.index_cast %swap3A_691 : i32 to index
      %swap3A_693 = arith.index_cast %mul3A_690 : i32 to index
      %swap3A_694 = tpu.vector_load %arg7[%swap3A_692, %swap3A_693] {strides = array<i32>} : memref<16x512xf32, #tpu.memory_space<vmem>>, vector<1x16xf32>,
      %swap3A_695 = vector.shape_cast %swap3A_694 : vector<1x16xf32> to vector<16xf32>
      %swap3A_696 = vector.shape_cast %select_n3A_688 : vector<16xf32> to vector<1x16xf32>
      tpu.vector_store %arg7[%swap3A_692, %swap3A_693], %swap3A_696 {strides = array<i32>} : memref<16x512xf32, #tpu.memory_space<vmem>>, vector<1x16xf32>,
      %broadcast_in_dim3A_697 = vector.shape_cast %and3A_635 : vector<16xi32> to vector<16x1xi32>
      %gather3A_698 = vector.shape_cast %broadcast_in_dim3A_697 : vector<16x1xi32> to vector<16xi32>
      %gather3A_699 = tpu.dynamic_gather %get3A_534[%gather3A_698] in [0] : vector<16xf32>, vector<16xi32> -> vector<16xf32>
      %eq3A_700 = arith.constant 1 : i32
      %eq3A_701 = vector.broadcast %eq3A_700 : i32 to vector<16xi32>
      %eq3A_702 = arith.cmpi eq, %shift_right_arithmetic3A_637, %eq3A_701 : vector<16xi32>
      %broadcast_in_dim3A_703 = vector.shape_cast %and3A_635 : vector<16xi32> to vector<16x1xi32>
      %gather3A_704 = vector.shape_cast %broadcast_in_dim3A_703 : vector<16x1xi32> to vector<16xi32>
      %gather3A_705 = tpu.dynamic_gather %get3A_539[%gather3A_704] in [0] : vector<16xf32>, vector<16xi32> -> vector<16xf32>
      %select_n3A_706 = arith.select %eq3A_702, %gather3A_705, %gather3A_699 : vector<16xi1>, vector<16xf32>
      %eq3A_707 = arith.constant 2 : i32
      %eq3A_708 = vector.broadcast %eq3A_707 : i32 to vector<16xi32>
      %eq3A_709 = arith.cmpi eq, %shift_right_arithmetic3A_637, %eq3A_708 : vector<16xi32>
      %broadcast_in_dim3A_710 = vector.shape_cast %and3A_635 : vector<16xi32> to vector<16x1xi32>
      %gather3A_711 = vector.shape_cast %broadcast_in_dim3A_710 : vector<16x1xi32> to vector<16xi32>
      %gather3A_712 = tpu.dynamic_gather %get3A_544[%gather3A_711] in [0] : vector<16xf32>, vector<16xi32> -> vector<16xf32>
      %select_n3A_713 = arith.select %eq3A_709, %gather3A_712, %select_n3A_706 : vector<16xi1>, vector<16xf32>
      %eq3A_714 = arith.constant 3 : i32
      %eq3A_715 = vector.broadcast %eq3A_714 : i32 to vector<16xi32>
      %eq3A_716 = arith.cmpi eq, %shift_right_arithmetic3A_637, %eq3A_715 : vector<16xi32>
      %broadcast_in_dim3A_717 = vector.shape_cast %and3A_635 : vector<16xi32> to vector<16x1xi32>
      %gather3A_718 = vector.shape_cast %broadcast_in_dim3A_717 : vector<16x1xi32> to vector<16xi32>
      %gather3A_719 = tpu.dynamic_gather %get3A_549[%gather3A_718] in [0] : vector<16xf32>, vector<16xi32> -> vector<16xf32>
      %select_n3A_720 = arith.select %eq3A_716, %gather3A_719, %select_n3A_713 : vector<16xi1>, vector<16xf32>
      %mul3A_721 = arith.constant 16 : i32
      %mul3A_722 = arith.muli %scan3A_627, %mul3A_721 : i32
      %swap3A_723 = arith.constant 14 : i32
      %swap3A_724 = arith.index_cast %swap3A_723 : i32 to index
      %swap3A_725 = arith.index_cast %mul3A_722 : i32 to index
      %swap3A_726 = tpu.vector_load %arg7[%swap3A_724, %swap3A_725] {strides = array<i32>} : memref<16x512xf32, #tpu.memory_space<vmem>>, vector<1x16xf32>,
      %swap3A_727 = vector.shape_cast %swap3A_726 : vector<1x16xf32> to vector<16xf32>
      %swap3A_728 = vector.shape_cast %select_n3A_720 : vector<16xf32> to vector<1x16xf32>
      tpu.vector_store %arg7[%swap3A_724, %swap3A_725], %swap3A_728 {strides = array<i32>} : memref<16x512xf32, #tpu.memory_space<vmem>>, vector<1x16xf32>,
      %broadcast_in_dim3A_729 = vector.shape_cast %and3A_635 : vector<16xi32> to vector<16x1xi32>
      %gather3A_730 = vector.shape_cast %broadcast_in_dim3A_729 : vector<16x1xi32> to vector<16xi32>
      %gather3A_731 = tpu.dynamic_gather %get3A_554[%gather3A_730] in [0] : vector<16xf32>, vector<16xi32> -> vector<16xf32>
      %eq3A_732 = arith.constant 1 : i32
      %eq3A_733 = vector.broadcast %eq3A_732 : i32 to vector<16xi32>
      %eq3A_734 = arith.cmpi eq, %shift_right_arithmetic3A_637, %eq3A_733 : vector<16xi32>
      %broadcast_in_dim3A_735 = vector.shape_cast %and3A_635 : vector<16xi32> to vector<16x1xi32>
      %gather3A_736 = vector.shape_cast %broadcast_in_dim3A_735 : vector<16x1xi32> to vector<16xi32>
      %gather3A_737 = tpu.dynamic_gather %get3A_559[%gather3A_736] in [0] : vector<16xf32>, vector<16xi32> -> vector<16xf32>
      %select_n3A_738 = arith.select %eq3A_734, %gather3A_737, %gather3A_731 : vector<16xi1>, vector<16xf32>
      %eq3A_739 = arith.constant 2 : i32
      %eq3A_740 = vector.broadcast %eq3A_739 : i32 to vector<16xi32>
      %eq3A_741 = arith.cmpi eq, %shift_right_arithmetic3A_637, %eq3A_740 : vector<16xi32>
      %broadcast_in_dim3A_742 = vector.shape_cast %and3A_635 : vector<16xi32> to vector<16x1xi32>
      %gather3A_743 = vector.shape_cast %broadcast_in_dim3A_742 : vector<16x1xi32> to vector<16xi32>
      %gather3A_744 = tpu.dynamic_gather %get3A_564[%gather3A_743] in [0] : vector<16xf32>, vector<16xi32> -> vector<16xf32>
      %select_n3A_745 = arith.select %eq3A_741, %gather3A_744, %select_n3A_738 : vector<16xi1>, vector<16xf32>
      %eq3A_746 = arith.constant 3 : i32
      %eq3A_747 = vector.broadcast %eq3A_746 : i32 to vector<16xi32>
      %eq3A_748 = arith.cmpi eq, %shift_right_arithmetic3A_637, %eq3A_747 : vector<16xi32>
      %broadcast_in_dim3A_749 = vector.shape_cast %and3A_635 : vector<16xi32> to vector<16x1xi32>
      %gather3A_750 = vector.shape_cast %broadcast_in_dim3A_749 : vector<16x1xi32> to vector<16xi32>
      %gather3A_751 = tpu.dynamic_gather %get3A_569[%gather3A_750] in [0] : vector<16xf32>, vector<16xi32> -> vector<16xf32>
      %select_n3A_752 = arith.select %eq3A_748, %gather3A_751, %select_n3A_745 : vector<16xi1>, vector<16xf32>
      %mul3A_753 = arith.constant 16 : i32
      %mul3A_754 = arith.muli %scan3A_627, %mul3A_753 : i32
      %swap3A_755 = arith.constant 15 : i32
      %swap3A_756 = arith.index_cast %swap3A_755 : i32 to index
      %swap3A_757 = arith.index_cast %mul3A_754 : i32 to index
      %swap3A_758 = tpu.vector_load %arg7[%swap3A_756, %swap3A_757] {strides = array<i32>} : memref<16x512xf32, #tpu.memory_space<vmem>>, vector<1x16xf32>,
      %swap3A_759 = vector.shape_cast %swap3A_758 : vector<1x16xf32> to vector<16xf32>
      %swap3A_760 = vector.shape_cast %select_n3A_752 : vector<16xf32> to vector<1x16xf32>
      tpu.vector_store %arg7[%swap3A_756, %swap3A_757], %swap3A_760 {strides = array<i32>} : memref<16x512xf32, #tpu.memory_space<vmem>>, vector<1x16xf32>,
      %scan3A_761 = arith.constant 0 : i32
      scf.yield %scan3A_761 : i32
    }
    %scan3A_576 = arith.constant 32 : i32
    %dma_start3A_577 = arith.constant 12 : i32
    %dma_start3A_578 = arith.constant 0 : i32
    %dma_start3A_579 = tpu.memref_slice %arg7[%dma_start3A_577, %dma_start3A_578] : memref<16x512xf32, #tpu.memory_space<vmem>> -> memref<4x512xf32, #tpu.memory_space<vmem>>
    %dma_start3A_580 = arith.constant 12 : i32
    %dma_start3A_581 = tpu.memref_slice %arg4[%dma_start3A_580, %mul3A_2] : memref<16x16384xf32, #tpu.memory_space<hbm>> -> memref<4x512xf32, #tpu.memory_space<hbm>>
    %dma_start3A_582 = arith.constant 12 : i32
    %dma_start3A_583 = tpu.memref_slice %arg4[%dma_start3A_582, %mul3A_2] : memref<16x16384xf32, #tpu.memory_space<hbm>> -> memref<4x512xf32, #tpu.memory_space<hbm>>
    %dma_start3A_584 = arith.constant 12 : i32
    %dma_start3A_585 = arith.constant 0 : i32
    %dma_start3A_586 = tpu.memref_slice %arg7[%dma_start3A_584, %dma_start3A_585] : memref<16x512xf32, #tpu.memory_space<vmem>> -> memref<4x512xf32, #tpu.memory_space<vmem>>
    tpu.enqueue_dma source(%dma_start3A_586 : memref<4x512xf32, #tpu.memory_space<vmem>>) target(%dma_start3A_583 : memref<4x512xf32, #tpu.memory_space<hbm>>) target_semaphore(%arg13 : memref<!tpu.dma_semaphore, #tpu.memory_space<semaphore_mem>>)
    "tpu.trace_stop"() : () -> ()
    "tpu.trace_start"() <{level = 10 : i32, message = "out_dma"}> : () -> ()
    %dma_wait3A_587 = arith.constant 0 : i32
    %dma_wait3A_588 = arith.constant 0 : i32
    %dma_wait3A_589 = tpu.memref_slice %arg7[%dma_wait3A_587, %dma_wait3A_588] : memref<16x512xf32, #tpu.memory_space<vmem>> -> memref<4x512xf32, #tpu.memory_space<vmem>>
    %dma_wait3A_590 = arith.constant 0 : i32
    %dma_wait3A_591 = tpu.memref_slice %arg4[%dma_wait3A_590, %mul3A_2] : memref<16x16384xf32, #tpu.memory_space<hbm>> -> memref<4x512xf32, #tpu.memory_space<hbm>>
    %dma_wait3A_592 = arith.constant 0 : i32
    %dma_wait3A_593 = tpu.memref_slice %arg4[%dma_wait3A_592, %mul3A_2] : memref<16x16384xf32, #tpu.memory_space<hbm>> -> memref<4x512xf32, #tpu.memory_space<hbm>>
    %dma_wait3A_594 = arith.constant 0 : i32
    %dma_wait3A_595 = arith.constant 0 : i32
    %dma_wait3A_596 = tpu.memref_slice %arg7[%dma_wait3A_594, %dma_wait3A_595] : memref<16x512xf32, #tpu.memory_space<vmem>> -> memref<4x512xf32, #tpu.memory_space<vmem>>
    tpu.wait_dma2 semaphore(%arg13 : memref<!tpu.dma_semaphore, #tpu.memory_space<semaphore_mem>>) src(%dma_wait3A_596 : memref<4x512xf32, #tpu.memory_space<vmem>>) dst(%dma_wait3A_593 : memref<4x512xf32, #tpu.memory_space<hbm>>)
    %dma_wait3A_597 = arith.constant 4 : i32
    %dma_wait3A_598 = arith.constant 0 : i32
    %dma_wait3A_599 = tpu.memref_slice %arg7[%dma_wait3A_597, %dma_wait3A_598] : memref<16x512xf32, #tpu.memory_space<vmem>> -> memref<4x512xf32, #tpu.memory_space<vmem>>
    %dma_wait3A_600 = arith.constant 4 : i32
    %dma_wait3A_601 = tpu.memref_slice %arg4[%dma_wait3A_600, %mul3A_2] : memref<16x16384xf32, #tpu.memory_space<hbm>> -> memref<4x512xf32, #tpu.memory_space<hbm>>
    %dma_wait3A_602 = arith.constant 4 : i32
    %dma_wait3A_603 = tpu.memref_slice %arg4[%dma_wait3A_602, %mul3A_2] : memref<16x16384xf32, #tpu.memory_space<hbm>> -> memref<4x512xf32, #tpu.memory_space<hbm>>
    %dma_wait3A_604 = arith.constant 4 : i32
    %dma_wait3A_605 = arith.constant 0 : i32
    %dma_wait3A_606 = tpu.memref_slice %arg7[%dma_wait3A_604, %dma_wait3A_605] : memref<16x512xf32, #tpu.memory_space<vmem>> -> memref<4x512xf32, #tpu.memory_space<vmem>>
    tpu.wait_dma2 semaphore(%arg13 : memref<!tpu.dma_semaphore, #tpu.memory_space<semaphore_mem>>) src(%dma_wait3A_606 : memref<4x512xf32, #tpu.memory_space<vmem>>) dst(%dma_wait3A_603 : memref<4x512xf32, #tpu.memory_space<hbm>>)
    %dma_wait3A_607 = arith.constant 8 : i32
    %dma_wait3A_608 = arith.constant 0 : i32
    %dma_wait3A_609 = tpu.memref_slice %arg7[%dma_wait3A_607, %dma_wait3A_608] : memref<16x512xf32, #tpu.memory_space<vmem>> -> memref<4x512xf32, #tpu.memory_space<vmem>>
    %dma_wait3A_610 = arith.constant 8 : i32
    %dma_wait3A_611 = tpu.memref_slice %arg4[%dma_wait3A_610, %mul3A_2] : memref<16x16384xf32, #tpu.memory_space<hbm>> -> memref<4x512xf32, #tpu.memory_space<hbm>>
    %dma_wait3A_612 = arith.constant 8 : i32
    %dma_wait3A_613 = tpu.memref_slice %arg4[%dma_wait3A_612, %mul3A_2] : memref<16x16384xf32, #tpu.memory_space<hbm>> -> memref<4x512xf32, #tpu.memory_space<hbm>>
    %dma_wait3A_614 = arith.constant 8 : i32
    %dma_wait3A_615 = arith.constant 0 : i32
    %dma_wait3A_616 = tpu.memref_slice %arg7[%dma_wait3A_614, %dma_wait3A_615] : memref<16x512xf32, #tpu.memory_space<vmem>> -> memref<4x512xf32, #tpu.memory_space<vmem>>
    tpu.wait_dma2 semaphore(%arg13 : memref<!tpu.dma_semaphore, #tpu.memory_space<semaphore_mem>>) src(%dma_wait3A_616 : memref<4x512xf32, #tpu.memory_space<vmem>>) dst(%dma_wait3A_613 : memref<4x512xf32, #tpu.memory_space<hbm>>)
    %dma_wait3A_617 = arith.constant 12 : i32
    %dma_wait3A_618 = arith.constant 0 : i32
    %dma_wait3A_619 = tpu.memref_slice %arg7[%dma_wait3A_617, %dma_wait3A_618] : memref<16x512xf32, #tpu.memory_space<vmem>> -> memref<4x512xf32, #tpu.memory_space<vmem>>
    %dma_wait3A_620 = arith.constant 12 : i32
    %dma_wait3A_621 = tpu.memref_slice %arg4[%dma_wait3A_620, %mul3A_2] : memref<16x16384xf32, #tpu.memory_space<hbm>> -> memref<4x512xf32, #tpu.memory_space<hbm>>
    %dma_wait3A_622 = arith.constant 12 : i32
    %dma_wait3A_623 = tpu.memref_slice %arg4[%dma_wait3A_622, %mul3A_2] : memref<16x16384xf32, #tpu.memory_space<hbm>> -> memref<4x512xf32, #tpu.memory_space<hbm>>
    %dma_wait3A_624 = arith.constant 12 : i32
    %dma_wait3A_625 = arith.constant 0 : i32
    %dma_wait3A_626 = tpu.memref_slice %arg7[%dma_wait3A_624, %dma_wait3A_625] : memref<16x512xf32, #tpu.memory_space<vmem>> -> memref<4x512xf32, #tpu.memory_space<vmem>>
    tpu.wait_dma2 semaphore(%arg13 : memref<!tpu.dma_semaphore, #tpu.memory_space<semaphore_mem>>) src(%dma_wait3A_626 : memref<4x512xf32, #tpu.memory_space<vmem>>) dst(%dma_wait3A_623 : memref<4x512xf32, #tpu.memory_space<hbm>>)
    "tpu.trace_stop"() : () -> ()
    return
  }
}

</mosaic_0001>

<sc_bundles>
// kernel: kernel.3.cloned.1.call-start
scs
__scs_entry_jumppad:
0x0: {  	(pc) =	sbr.rel $0x88, $3  }
0x1: {  	(tag) =	ssettag $0x0;
	lr =	simm.s32 $0x1  }
0x2: {  	[smem:$0x3F9F] =	sst lr;
	_ =	strace $0xD0000000  }
0x3: {  	_ = 	snop  }
0x4: {  	_ = 	snop  }
0x5: {  	_ = 	snop  }
0x6: {  	_ = 	snop  }
0x7: {  	_ = 	snop  }
__scs_overlays_trampoline_lowered:
0x8: {  	[smem:$0x3FAE] =	sst s0  }
0x9: {  	[smem:$0x3FAF] =	sst s1  }
0xa: {  	[smem:$0x3FB0] =	sst s2  }
0xb: {  	[smem:$0x3FB1] =	sst s3  }
0xc: {  	[smem:$0x3FB2] =	sst s4  }
0xd: {  	[smem:$0x3FB3] =	sst s5  }
0xe: {  	[smem:$0x3FB4] =	sst s6  }
0xf: {  	[smem:$0x3FB5] =	sst s7  }
0x10: {  	[smem:$0x3FB6] =	sst s8  }
0x11: {  	[smem:$0x3FB7] =	sst s9;
	s0 =	simm.s32 @!p0 $0x0  }
0x12: {  	s1 =	sld [smem:$0x3F9D];
	s0 =	simm.s32 @p0 $0x1  }
0x13: {  	[smem:$0x3FB8] =	sst s0;
	s0 =	simm.s32 @!p1 $0x0  }
0x14: {  	s2 =	sld [smem:$0x3F9C];
	s0 =	simm.s32 @p1 $0x1  }
0x15: {  	[smem:$0x3FB9] =	sst s0;
	s0 =	simm.s32 @!p2 $0x0  }
0x16: {  	s3 =	sld [smem:$0x3FDB];
	s0 =	simm.s32 @p2 $0x1  }
0x17: {  	s4 =	simm.s32 $0x1BF5;
	[smem:$0x3FBB] =	sst s0  }
0x18: {  	s0 =	sld [smem:$0x3F9E];
	_ =	swait.ge [sflag:s4], $0x0  }
0x19: {  	s7 =	sld [smem:$0x3F9F]  }
0x1a: {  	s8 =	sadd.s32 $0xFFFFE003, lr  }
0x1b: {  	s9 =	sadd.s32 $0xFFFFFEF7, lr;
	s5 =	simm.s32 $0xFFFFFFFF;
	p2 =	slt.u32 s8, $0xFFFFF086  }
0x1c: {  	p1 =	slt.u32 s9, $0xF7A;
	s5 =	simm.s32 @!p2 $0x0  }
0x1d: {  	s5 =	simm.s32 @p1 $0x1;
	p0 =	seq.s32 s7, s2  }
0x1e: {  	s7 =	smul.u32 @!p0 $0xF7A, s2;
	p2 =	seq.s32 @!p0 s5, $0x0  }
0x1f: {  	s9 =	smul.u32 $0xF7A, s1;
	s8 =	simm.s32 @!p0 $0x1BF5;
	p2 =	por !p2, p0  }
0x20: {  	[sflag:s8] =	ssyncset.s32 @!p0 $0xFFFFF086;
	s6 =	sadd.s32 @!p0 s3, s7;
	s7 =	simm.s32 @!p0 $0x108  }
0x21: {  	s3 =	sadd.s32 s3, s9;
	s6 =	sadd.s32 @!p0 $0x88, s6;
	s7 =	simm.s32 @p2 $0x1082  }
0x22: {  	[simem:s7], [sflag:s8] =	dma.local @!p0 [hbm:s6], $0xF7A  }
0x23: {  	s9 =	sor.u32 $0xD0000000, s2;
	s6 =	simm.s32 $0x108;
	_ =	swait.ge @!p0 [sflag:s8], $0x0  }
0x24: {  	s3 =	sadd.s32 $0x88, s3;
	s6 =	simm.s32 @!p1 $0x1082;
	[sflag:s4] =	ssyncset.s32 $0xFFFFF086  }
0x25: {  	[simem:s6], [sflag:s4] =	dma.local [hbm:s3], $0xF7A  }
0x26: {  	[smem:$0x3F9F] =	sst s1;
	(tag) =	ssettag s2;
	_ =	strace s9  }
0x27: {  	s1 =	sld [smem:$0x3FAF]  }
0x28: {  	s2 =	sld [smem:$0x3FB0]  }
0x29: {  	s4 =	sld [smem:$0x3FB2]  }
0x2a: {  	p0 =	seq.s32 s5, $0x0;
	s5 =	sld [smem:$0x3FB3]  }
0x2b: {  	s6 =	sld [smem:$0x3FB4]  }
0x2c: {  	s7 =	sld [smem:$0x3FB5]  }
0x2d: {  	s3 =	simm.s32 $0x108;
	s8 =	sld [smem:$0x3FB6]  }
0x2e: {  	s3 =	simm.s32 @!p0 $0x1082;
	s9 =	sld [smem:$0x3FB7]  }
0x2f: {  	lr =	sadd.s32 s0, s3;
	s0 =	sld [smem:$0x3FAE]  }
0x30: {  	s3 =	sld [smem:$0x3FB1]  }
0x31: {  	[smem:$0x3FBA] =	sst s10  }
0x32: {  	s10 =	sld [smem:$0x3FB8];
	_ =	sdelay $0x3  }
0x33: {  	p0 =	seq.s32 s10, $0x1;
	s10 =	sld [smem:$0x3FBA];
	_ =	sdelay $0x3  }
0x34: {  	[smem:$0x3FBA] =	sst s10  }
0x35: {  	s10 =	sld [smem:$0x3FB9];
	_ =	sdelay $0x3  }
0x36: {  	p1 =	seq.s32 s10, $0x1;
	s10 =	sld [smem:$0x3FBA];
	_ =	sdelay $0x3  }
0x37: {  	[smem:$0x3FBA] =	sst s10  }
0x38: {  	s10 =	sld [smem:$0x3FBB]  }
0x39: {  	_ = 	snop;
	(pc) =	sbr.ind lr, $3  }
0x3a: {  	_ = 	snop  }
0x3b: {  	_ = 	snop  }
0x3c: {  	p2 =	seq.s32 s10, $0x1;
	s10 =	sld [smem:$0x3FBA]  }
0x3d: {  	_ =	shalt  }
0x3e: {  	_ =	shalt  }
0x3f: {  	_ =	shalt  }
0x40: {  	_ =	shalt  }
0x41: {  	_ =	shalt  }
0x42: {  	_ =	shalt  }
0x43: {  	_ =	shalt  }
0x44: {  	_ =	shalt  }
0x45: {  	_ =	shalt  }
0x46: {  	_ =	shalt  }
0x47: {  	_ =	shalt  }
0x48: {  	_ =	shalt  }
0x49: {  	_ =	shalt  }
0x4a: {  	_ =	shalt  }
0x4b: {  	_ =	shalt  }
0x4c: {  	_ =	shalt  }
0x4d: {  	_ =	shalt  }
0x4e: {  	_ =	shalt  }
0x4f: {  	_ =	shalt  }
0x50: {  	_ =	shalt  }
0x51: {  	_ =	shalt  }
0x52: {  	_ =	shalt  }
0x53: {  	_ =	shalt  }
0x54: {  	_ =	shalt  }
0x55: {  	_ =	shalt  }
0x56: {  	_ =	shalt  }
0x57: {  	_ =	shalt  }
0x58: {  	_ =	shalt  }
0x59: {  	_ =	shalt  }
0x5a: {  	_ =	shalt  }
0x5b: {  	_ =	shalt  }
0x5c: {  	_ =	shalt  }
0x5d: {  	_ =	shalt  }
0x5e: {  	_ =	shalt  }
0x5f: {  	_ =	shalt  }
0x60: {  	_ =	shalt  }
0x61: {  	_ =	shalt  }
0x62: {  	_ =	shalt  }
0x63: {  	_ =	shalt  }
0x64: {  	_ =	shalt  }
0x65: {  	_ =	shalt  }
0x66: {  	_ =	shalt  }
0x67: {  	_ =	shalt  }
0x68: {  	_ =	shalt  }
0x69: {  	_ =	shalt  }
0x6a: {  	_ =	shalt  }
0x6b: {  	_ =	shalt  }
0x6c: {  	_ =	shalt  }
0x6d: {  	_ =	shalt  }
0x6e: {  	_ =	shalt  }
0x6f: {  	_ =	shalt  }
0x70: {  	_ =	shalt  }
0x71: {  	_ =	shalt  }
0x72: {  	_ =	shalt  }
0x73: {  	_ =	shalt  }
0x74: {  	_ =	shalt  }
0x75: {  	_ =	shalt  }
0x76: {  	_ =	shalt  }
0x77: {  	_ =	shalt  }
0x78: {  	_ =	shalt  }
0x79: {  	_ =	shalt  }
0x7a: {  	_ =	shalt  }
0x7b: {  	_ =	shalt  }
0x7c: {  	_ =	shalt  }
0x7d: {  	_ =	shalt  }
0x7e: {  	_ =	shalt  }
0x7f: {  	_ =	shalt  }
0x80: {  	_ =	shalt  }
0x81: {  	_ =	shalt  }
0x82: {  	_ =	shalt  }
0x83: {  	_ =	shalt  }
0x84: {  	_ =	shalt  }
0x85: {  	_ =	shalt  }
0x86: {  	_ =	shalt  }
0x87: {  	_ =	shalt  }
.Lfunc_end0:
.L_simem_size_0:
called_computation_lowered:
.L_overlay_start_0:
0x88: {  	s2 =	sld [smem:$0x3FD9]  }
0x89: {  	s3 =	sld [smem:$0x3FFE];
	_ =	sdelay $0x1  }
0x8a: {  	s1 =	srdreg.scid  }
0x8b: {  	s0 =	sand.u32 $0x1, s1  }
0x8c: {  	s18 =	sshll.u32 s0, $0xA;
	s2 =	sadd.s32 s3, s2  }
0x8d: {  	s2 =	sadd.s32 s2, s18  }
0x8e: {  	[smem:$0x3FC6] =	sst s2  }
0x8f: {  	_ = 	snop  }
0x90: {  	s2 =	sld [smem:$0x3FC9]  }
0x91: {  	s19 =	sld [smem:$0x3FC8]  }
0x92: {  	s4 =	sld [smem:$0x3FD0];
	(tm) =	ssettm $0x1  }
0x93: {  	s5 =	sld [smem:$0x3FFB];
	_ =	sdelay $0x3  }
0x94: {  	_ =	strace s5  }
0x95: {  	s5 =	sld [smem:$0x3FFC];
	_ =	sdelay $0x3  }
0x96: {  	_ =	strace s5  }
0x97: {  	s5 =	sld [smem:$0x3FFD];
	_ =	sdelay $0x3  }
0x98: {  	_ =	strace s5  }
0x99: {  	_ =	strace $0x8FFFFFFF  }
0x9a: {  	s20 =	sld [smem:$0x3FDB];
	_ =	sdelay $0x1  }
0x9b: {  	s6 =	simm.s32 $_scs_section_size  }
0x9c: {  	s7 =	simm.s32 $_size__tile_overlayer_lowered;
	s8 =	simm.s32 $_tile_overlayer_lowered  }
0x9d: {  	s23 =	simm.s32 $0x1BFF;
	s22 =	sshll.u32 s8, $0x1;
	s5 =	sadd.s32 s6, s20  }
0x9e: {  	s9 =	simm.s32 $0x0;
	s21 =	sshll.u32 s7, $0x1;
	s7 =	sadd.s32 s22, s5  }
0x9f: {  	[timem:s9], [sflag:s23] =	dma.local [hbm:s7], s21  }
0xa0: {  	_ =	swait.ge [sflag:s23], s21  }
0xa1: {  	s6 =	ssub.s32 $0x0, s21;
	[sflag:s23] =	ssyncset.done $0x0  }
0xa2: {  	[sflag:s23] =	ssyncadd.s32 s6;
	_ =	sdelay $0x1  }
0xa3: {  	s24 =	simm.s32 $0x1B8B  }
0xa4: {  	_ =	swait.ge [sflag:s24], $0x1  }
0xa5: {  	[sflag:s24] =	ssyncset.done $0x0  }
0xa6: {  	s25 =	simm.s32 $0x1B8E;
	[sflag:s24] =	ssyncadd.s32 $0xFFFFFFFF  }
0xa7: {  	s26 =	simm.s32 $execute0_lowered;
	[smem:$0x3FD2] =	sst s25  }
0xa8: {  	s6 =	sshll.u32 s26, $0x1;
	_ =	strace $0x80000046;
	[dreg:$0x1] =	wrdreg $0xFFFFFFFF  }
0xa9: {  	s28 =	simm.s32 $_size_execute0_lowered;
	s5 =	sadd.s32 s5, s6;
	[dreg:$0x0] =	wrdreg $0x0  }
0xaa: {  	s6 =	sshll.u32 s28, $0x1;
	[dreg:$0x2] =	wrdreg s5  }
0xab: {  	[dreg:$0x3] =	wrdreg s6  }
0xac: {  	[dreg:$0x4] =	wrdreg $0xC0  }
0xad: {  	_ =	task [dreg:s9], $0x5FFFF  }
0xae: {  	[dreg:$0x1] =	wrdreg $0xFFFFFFFF  }
0xaf: {  	[dreg:$0x0] =	wrdreg $0x60  }
0xb0: {  	[dreg:$0x2] =	wrdreg s2  }
0xb1: {  	[dreg:$0x3] =	wrdreg s19  }
0xb2: {  	[dreg:$0x4] =	wrdreg s4  }
0xb3: {  	[dreg:$0x5] =	wrdreg $0x9  }
0xb4: {  	_ =	task.clear_ibuf [dreg:s9], $0x6FFFF;
	_ =	strace $0x90000046  }
0xb5: {  	s29 =	simm.s32 $0x9;
	_ =	strace $0x8000004B  }
0xb6: {  	_ =	swait.ge [sflag:s29], $0x1  }
0xb7: {  	[sflag:s29] =	ssyncadd.s32 $0xFFFFFFFF  }
0xb8: {  	_ =	strace $0x9000004B  }
0xb9: {  	_ =	sfence  }
0xba: {  	s30 =	sld [smem:$0x0];
	_ =	sdelay $0x2  }
0xbb: {  	s31 =	sshll.u32 s1, $0xD;
	s1 =	sshrl.u32 s1, $0x2  }
0xbc: {  	s3 =	sand.u32 $0x4000, s31;
	s1 =	sadd.s32 s1, s30  }
0xbd: {  	s0 =	sor.u32 s3, s0;
	s1 =	sshll.u32 s1, $0x11  }
0xbe: {  	s0 =	sor.u32 s1, s0  }
0xbf: {  	s0 =	sadd.s32 $0x8F2B, s0  }
0xc0: {  	[sflag:s0] =	ssyncadd.remote.s32 $0x1  }
0xc1: {  	_ =	sfence.sel $0xFFFF  }
0xc2: {  	[dreg:$0x0] =	wrdreg $0xFFFFFFFF;
	(pc) =	sbr.abs _section_cstart, $3  }
0xc3: {  	[dreg:$0x1] =	wrdreg $0xFFFFFFFF  }
0xc4: {  	_ =	task.clear_ibuf [dreg:s9], $0x2FFFF;
	_ =	strace $0x9FFFFFFF  }
0xc5: {  	(tm) =	ssettm $0x7FFFFFFF  }
tec
execute0_lowered:
.L_overlay_start_1:
0x0: {  	(tag) =	ssettag $0x1  }
0x1: {  	s0 =	rddreg [dreg:$0x0]  }
0x2: {  	s1 =	rddreg [dreg:$0x1]  }
0x3: {  	s2 =	rddreg [dreg:$0x2]  }
0x4: {  	s3 =	srdreg.scid;
	s7 =	stileid.u32;
	s23 =	simm.s32 $0x1  }
0x5: {  	s24 =	simm.s32 $0x2;
	s31 =	simm.s32 $0x3;
	s18 =	simm.s32 $0x4  }
0x6: {  	s25 =	simm.s32 $0x5;
	s16 =	simm.s32 $0x0;
	s4 =	sand.u32 $0x1, s3  }
0x7: {  	s3 =	simm.s32 $0x0;
	s7 =	sshll.u32 s7, $0x1;
	s5 =	ssub.s32 $0x2, s4  }
0x8: {  	[smem:$0x7FF] =	sst s3;
	s8 =	sor.u32 s4, s7;
	s4 =	sadd.s32 $0x40, s1  }
0x9: {  	s6 =	sshrl.u32 s5, $0x1;
	_ =	strace $0x80000047;
	s7 =	sshll.u32 s8, $0x7  }
0xa: {  	s30 =	sshll.u32 s8, $0x9;
	s15 =	ssub.s32 s5, s6;
	s5 =	sadd.s32 $0x80, s1  }
0xb: {  	s6 =	sadd.s32 $0xC0, s1;
	s7 =	sadd.s32 s0, s7;
	s10 =	sadd.s32 s2, s30  }
0xc: {  	s2 =	simm.s32 $0x6;
	s8 =	sadd.s32 $0x20, s7;
	s9 =	sadd.s32 $0x40, s7  }
0xd: {  	s11 =	sadd.s32 $0x60, s7;
	s12 =	sadd.s32 $0x40, s10;
	s13 =	sadd.s32 $0x4000, s10  }
0xe: {  	s14 =	sadd.s32 $0x4040, s10;
	s15 =	smax.u32 s15, $0x1;
	s26 =	sadd.s32 $0x80, s10  }
.LBB2_1:
0xf: {  	_ =	strace $0x80000048  }
0x10: {  	s1 =	simm.s32 $0x200;
	s0 =	rddreg [dreg:$0x1]  }
0x11: {  	[tilespmem:s1], [sflag:$0x2] =	stream.linear.gather [hbm4b:s0+s3], $0x200, $0x200038;
	[tilespmem:$0x2A00] =	vst v63  }
0x12: {  	s20 =	simm.s32 $0x400  }
0x13: {  	[tilespmem:s20], [sflag:$0x3] =	stream.linear.gather [hbm4b:s4+s3], $0x200, $0x200038;
	[tilespmem:$0x2A00] =	vst v63  }
0x14: {  	s21 =	simm.s32 $0x600  }
0x15: {  	[tilespmem:s21], [sflag:$0x4] =	stream.linear.gather [hbm4b:s5+s3], $0x200, $0x200038;
	[tilespmem:$0x2A00] =	vst v63  }
0x16: {  	s22 =	simm.s32 $0x800  }
0x17: {  	[tilespmem:s22], [sflag:$0x5] =	stream.linear.gather [hbm4b:s6+s3], $0x200, $0x200038;
	[tilespmem:$0x2A00] =	vst v63  }
0x18: {  	_ = 	snop  }
0x19: {  	[tilespmem:s3], [sflag:$0x1] =	stream.linear.gather [hbm4b:s7+s3], $0x80, $0x200038;
	[tilespmem:$0x2A00] =	vst v63  }
0x1a: {  	s28 =	simm.s32 $0x80  }
0x1b: {  	[tilespmem:s28], [sflag:$0x1] =	stream.linear.gather [hbm4b:s8+s3], $0x80, $0x200038;
	[tilespmem:$0x2A00] =	vst v63  }
0x1c: {  	s29 =	simm.s32 $0x100  }
0x1d: {  	[tilespmem:s29], [sflag:$0x1] =	stream.linear.gather [hbm4b:s9+s3], $0x80, $0x200038;
	[tilespmem:$0x2A00] =	vst v63  }
0x1e: {  	s30 =	simm.s32 $0x180  }
0x1f: {  	[tilespmem:s30], [sflag:$0x1] =	stream.linear.gather [hbm4b:s11+s3], $0x80, $0x200038;
	[tilespmem:$0x2A00] =	vst v63  }
0x20: {  	_ =	swait.ge [sflag:s23], $0x80  }
0x21: {  	[sflag:s23] =	ssyncset.done $0x0  }
0x22: {  	[sflag:s23] =	ssyncadd.s32 $0xFFFFFF80  }
0x23: {  	_ =	swait.ge [sflag:s23], $0x80  }
0x24: {  	[sflag:s23] =	ssyncset.done $0x0  }
0x25: {  	[sflag:s23] =	ssyncadd.s32 $0xFFFFFF80  }
0x26: {  	_ =	swait.ge [sflag:s23], $0x80  }
0x27: {  	[sflag:s23] =	ssyncset.done $0x0  }
0x28: {  	[sflag:s23] =	ssyncadd.s32 $0xFFFFFF80  }
0x29: {  	_ =	swait.ge [sflag:s23], $0x80  }
0x2a: {  	[sflag:s23] =	ssyncset.done $0x0  }
0x2b: {  	[sflag:s23] =	ssyncadd.s32 $0xFFFFFF80  }
0x2c: {  	_ =	strace $0x90000048  }
0x2d: {  	_ =	strace $0x80000049  }
0x2e: {  	_ =	swait.ge [sflag:s24], $0x200  }
0x2f: {  	[sflag:s24] =	ssyncset.done $0x0  }
0x30: {  	[sflag:s24] =	ssyncadd.s32 $0xFFFFFE00  }
0x31: {  	v0 =	vld [tilespmem:$0x200]  }
0x32: {  	v5 =	vld [tilespmem:$0x210]  }
0x33: {  	v7 =	vld [tilespmem:$0x220]  }
0x34: {  	v1 =	vld [tilespmem:$0x230]  }
0x35: {  	v9 =	vld [tilespmem:$0x280]  }
0x36: {  	v8 =	vld [tilespmem:$0x290]  }
0x37: {  	v2 =	vld [tilespmem:$0x2A0]  }
0x38: {  	v10 =	vld [tilespmem:$0x2B0]  }
0x39: {  	v11 =	vld [tilespmem:$0x300]  }
0x3a: {  	v6 =	vld [tilespmem:s3+$0x0]  }
0x3b: {  	v14 =	vld [tilespmem:$0x380]  }
0x3c: {  	v12 =	vld [tilespmem:$0x310]  }
0x3d: {  	v13 =	vld [tilespmem:$0x320]  }
0x3e: {  	v15 =	vld [tilespmem:$0x3A0]  }
0x3f: {  	v4 =	vld [tilespmem:$0x330];
	v16 =	vand.u32 $0xF, v6;
	v20 =	vshra.s32 v6, $0x4  }
0x40: {  	s17 =	sand.u32 $0xC00, s3;
	s19 =	simm.s32 $0x0;
	v3 =	vld [tilespmem:$0x390];
	v18 =	vperm.xlane v5, v16;
	vm0 =	veq.s32 v20, $0x3;
	v17 =	vperm.xlane v14, v16  }
0x41: {  	s20 =	simm.s32 $0x10;
	s21 =	simm.s32 $0x0;
	s22 =	simm.s32 $0x0;
	v6 =	vld [tilespmem:$0x3B0];
	vm1 =	veq.s32 v20, $0x2;
	v19 =	vperm.xlane v7, v16;
	v21 =	vperm.xlane v9, v16  }
.LBB2_2:
0x42: {  	p0 =	sne.s32 s20, $0x1F0;
	v22 =	vperm.xlane v8, v16;
	v23 =	vperm.xlane v10, v16;
	s21 =	sadd.s32 $0x80, s21;
	s22 =	sadd.s32 $0x10, s22  }
0x43: {  	vm2 =	veq.s32 v20, $0x1;
	v20 =	vperm.xlane v11, v16;
	v24 =	vperm.xlane v15, v16;
	s29 =	smov.u32 s20;
	s20 =	sadd.s32 $0x10, s20;
	s28 =	sand.u32 $0xC00, s21  }
0x44: {  	v25 =	vperm.xlane v13, v16;
	v21 =	vsel vm2, v22, v21;
	v22 =	vperm.xlane v12, v16  }
0x45: {  	v26 =	vperm.xlane v1, v16;
	v27 =	vperm.xlane v2, v16  }
0x46: {  	v28 =	vperm.xlane v0, v16;
	v20 =	vsel vm2, v22, v20;
	v22 =	vperm.xlane v4, v16  }
0x47: {  	s30 =	sand.u32 $0x70, s19;
	s19 =	smov.u32 s29;
	v21 =	vsel vm1, v27, v21;
	v20 =	vsel vm1, v25, v20;
	v25 =	vperm.xlane v3, v16  }
0x48: {  	s29 =	sor.u32 s30, s17;
	v18 =	vsel vm2, v18, v28;
	s17 =	smov.u32 s28;
	v16 =	vperm.xlane v6, v16;
	v20 =	vsel vm0, v22, v20  }
0x49: {  	v18 =	vsel vm1, v19, v18;
	v19 =	vsel vm0, v23, v21;
	[tilespmem:s29+$0xB00] =	vst v20;
	v17 =	vsel vm2, v25, v17  }
0x4a: {  	v18 =	vsel vm0, v26, v18;
	[tilespmem:s29+$0xA80] =	vst v19;
	v17 =	vsel vm1, v24, v17  }
0x4b: {  	[tilespmem:s29+$0xA00] =	vst v18;
	v16 =	vsel vm0, v16, v17  }
0x4c: {  	[tilespmem:s29+$0xB80] =	vst v16  }
0x4d: {  	v17 =	vld [tilespmem:s22+$0x0];
	_ =	sdelay $0x2  }
.Ltmp0:
0x4e: {  	(pc) =	sbr.rel @p0 .LBB2_2-.Ltmp0, $4  }
0x4f: {  	_ = 	snop  }
0x50: {  	v16 =	vand.u32 $0xF, v17;
	v20 =	vshra.s32 v17, $0x4  }
0x51: {  	v18 =	vperm.xlane v5, v16;
	vm0 =	veq.s32 v20, $0x3;
	v17 =	vperm.xlane v14, v16  }
0x52: {  	vm1 =	veq.s32 v20, $0x2;
	v19 =	vperm.xlane v7, v16;
	v21 =	vperm.xlane v9, v16  }
0x53: {  	v5 =	vperm.xlane v8, v16  }
0x54: {  	v7 =	vperm.xlane v10, v16;
	v8 =	vperm.xlane v11, v16  }
0x55: {  	v9 =	vperm.xlane v15, v16;
	v10 =	vperm.xlane v12, v16  }
0x56: {  	v11 =	vperm.xlane v13, v16;
	v2 =	vperm.xlane v2, v16  }
0x57: {  	vm2 =	veq.s32 v20, $0x1;
	v0 =	vperm.xlane v0, v16;
	v4 =	vperm.xlane v4, v16  }
0x58: {  	v3 =	vperm.xlane v3, v16;
	v5 =	vsel vm2, v5, v21;
	v8 =	vsel vm2, v10, v8  }
0x59: {  	v1 =	vperm.xlane v1, v16;
	s19 =	sand.u32 $0x70, s19;
	v2 =	vsel vm1, v2, v5;
	v5 =	vsel vm1, v11, v8  }
0x5a: {  	s17 =	sor.u32 s19, s17;
	v0 =	vsel vm2, v18, v0;
	v3 =	vsel vm2, v3, v17;
	v4 =	vsel vm0, v4, v5  }
0x5b: {  	v0 =	vsel vm1, v19, v0;
	v5 =	vperm.xlane v6, v16;
	v2 =	vsel vm0, v7, v2;
	[tilespmem:s17+$0xB00] =	vst v4  }
0x5c: {  	v0 =	vsel vm0, v1, v0;
	v1 =	vsel vm1, v9, v3;
	[tilespmem:s17+$0xA80] =	vst v2  }
0x5d: {  	[tilespmem:s17+$0xA00] =	vst v0;
	v0 =	vsel vm0, v5, v1  }
0x5e: {  	s0 =	simm.s32 $0xA00;
	s19 =	simm.s32 $0x0;
	[tilespmem:s17+$0xB80] =	vst v0  }
0x5f: {  	[hbm4b:s10+s19] =	stream.linear.scatter [tilespmem:s0], [sflag:$0x6], $0x200, $0x200038;
	[tilespmem:$0x2A00] =	vst v63  }
0x60: {  	s20 =	simm.s32 $0xE00  }
0x61: {  	[hbm4b:s26+s19] =	stream.linear.scatter [tilespmem:s20], [sflag:$0x6], $0x200, $0x200038;
	[tilespmem:$0x2A00] =	vst v63  }
0x62: {  	s21 =	sadd.s32 $0x100, s10;
	s22 =	simm.s32 $0x1200  }
0x63: {  	[hbm4b:s21+s19] =	stream.linear.scatter [tilespmem:s22], [sflag:$0x6], $0x200, $0x200038;
	[tilespmem:$0x2A00] =	vst v63  }
0x64: {  	s29 =	sadd.s32 $0x180, s10;
	s30 =	simm.s32 $0x1600  }
0x65: {  	[hbm4b:s29+s19] =	stream.linear.scatter [tilespmem:s30], [sflag:$0x6], $0x200, $0x200038;
	[tilespmem:$0x2A00] =	vst v63  }
0x66: {  	_ =	swait.ge [sflag:s31], $0x200  }
0x67: {  	[sflag:s31] =	ssyncset.done $0x0  }
0x68: {  	[sflag:s31] =	ssyncadd.s32 $0xFFFFFE00  }
0x69: {  	v10 =	vld [tilespmem:$0x400]  }
0x6a: {  	v1 =	vld [tilespmem:$0x410]  }
0x6b: {  	v4 =	vld [tilespmem:$0x420]  }
0x6c: {  	v0 =	vld [tilespmem:$0x430]  }
0x6d: {  	v11 =	vld [tilespmem:$0x480]  }
0x6e: {  	v6 =	vld [tilespmem:$0x490]  }
0x6f: {  	v7 =	vld [tilespmem:$0x4A0]  }
0x70: {  	v13 =	vld [tilespmem:$0x4B0]  }
0x71: {  	v12 =	vld [tilespmem:$0x500]  }
0x72: {  	v15 =	vld [tilespmem:$0x510]  }
0x73: {  	v9 =	vld [tilespmem:$0x520]  }
0x74: {  	v14 =	vld [tilespmem:$0x530]  }
0x75: {  	v8 =	vld [tilespmem:$0x580]  }
0x76: {  	v5 =	vld [tilespmem:$0x590]  }
0x77: {  	s28 =	simm.s32 $0x0;
	s17 =	sor.u32 s19, s19;
	v3 =	vld [tilespmem:$0x5A0]  }
0x78: {  	s20 =	sand.u32 $0xC00, s19;
	s22 =	simm.s32 $0x10;
	s21 =	simm.s32 $0x0;
	v2 =	vld [tilespmem:$0x5B0]  }
.LBB2_4:
0x79: {  	p0 =	sne.s32 s22, $0x1F0  }
0x7a: {  	v16 =	vld [tilespmem:s19+$0x0];
	s28 =	sadd.s32 $0x80, s28;
	s19 =	sadd.s32 $0x10, s19;
	s29 =	smov.u32 s22  }
0x7b: {  	s22 =	sadd.s32 $0x10, s22;
	s30 =	sand.u32 $0xC00, s28;
	s0 =	sor.u32 s28, s29  }
0x7c: {  	_ =	sdelay $0x2  }
0x7d: {  	v17 =	vand.u32 $0xF, v16;
	v16 =	vshra.s32 v16, $0x4  }
0x7e: {  	v18 =	vperm.xlane v10, v17;
	vm0 =	veq.s32 v16, $0x2;
	v19 =	vperm.xlane v15, v17  }
0x7f: {  	vm1 =	veq.s32 v16, $0x1;
	v20 =	vperm.xlane v11, v17;
	v21 =	vperm.xlane v13, v17  }
0x80: {  	v22 =	vperm.xlane v12, v17;
	v23 =	vperm.xlane v14, v17  }
0x81: {  	v24 =	vperm.xlane v6, v17;
	v25 =	vperm.xlane v7, v17  }
0x82: {  	vm2 =	veq.s32 v16, $0x3;
	v16 =	vsel vm1, v19, v22;
	v19 =	vperm.xlane v9, v17  }
0x83: {  	v22 =	vperm.xlane v4, v17;
	v20 =	vsel vm1, v24, v20;
	v24 =	vperm.xlane v8, v17  }
0x84: {  	s1 =	sand.u32 $0x70, s21;
	s21 =	smov.u32 s29;
	v26 =	vperm.xlane v1, v17;
	v20 =	vsel vm0, v25, v20;
	v16 =	vsel vm0, v19, v16  }
0x85: {  	s1 =	sor.u32 s1, s20;
	s20 =	smov.u32 s30;
	v19 =	vperm.xlane v0, v17;
	v20 =	vsel vm2, v21, v20;
	v21 =	vperm.xlane v5, v17  }
.Ltmp1:
0x86: {  	v18 =	vsel vm1, v26, v18;
	v16 =	vsel vm2, v23, v16;
	[tilespmem:s1+$0xC80] =	vst v20;
	v20 =	vperm.xlane v3, v17;
	(pc) =	sbr.rel @p0 .LBB2_4-.Ltmp1, $4  }
0x87: {  	v18 =	vsel vm0, v22, v18;
	v17 =	vperm.xlane v2, v17;
	[tilespmem:s1+$0xD00] =	vst v16;
	v16 =	vsel vm1, v21, v24  }
0x88: {  	v18 =	vsel vm2, v19, v18;
	v16 =	vsel vm0, v20, v16  }
0x89: {  	[tilespmem:s1+$0xC00] =	vst v18;
	v16 =	vsel vm2, v17, v16;
	s1 =	sor.u32 $0x380, s17;
	s17 =	smov.u32 s0  }
0x8a: {  	[tilespmem:s1+$0xA00] =	vst v16  }
0x8b: {  	v16 =	vld [tilespmem:s19+$0x0];
	_ =	sdelay $0x4  }
0x8c: {  	v17 =	vand.u32 $0xF, v16  }
0x8d: {  	v10 =	vperm.xlane v10, v17  }
0x8e: {  	v15 =	vperm.xlane v15, v17;
	v11 =	vperm.xlane v11, v17  }
0x8f: {  	v13 =	vperm.xlane v13, v17;
	v12 =	vperm.xlane v12, v17  }
0x90: {  	v16 =	vshra.s32 v16, $0x4;
	v14 =	vperm.xlane v14, v17;
	v6 =	vperm.xlane v6, v17  }
0x91: {  	vm0 =	veq.s32 v16, $0x2;
	v7 =	vperm.xlane v7, v17;
	v9 =	vperm.xlane v9, v17  }
0x92: {  	vm1 =	veq.s32 v16, $0x1;
	v4 =	vperm.xlane v4, v17;
	v8 =	vperm.xlane v8, v17  }
0x93: {  	vm2 =	veq.s32 v16, $0x3;
	v1 =	vperm.xlane v1, v17;
	v0 =	vperm.xlane v0, v17  }
0x94: {  	v5 =	vperm.xlane v5, v17;
	v3 =	vperm.xlane v3, v17;
	v6 =	vsel vm1, v6, v11  }
0x95: {  	s0 =	sand.u32 $0x70, s21;
	v2 =	vperm.xlane v2, v17;
	v12 =	vsel vm1, v15, v12;
	v6 =	vsel vm0, v7, v6  }
0x96: {  	s0 =	sor.u32 s0, s20;
	v1 =	vsel vm1, v1, v10;
	v7 =	vsel vm0, v9, v12;
	v6 =	vsel vm2, v13, v6  }
0x97: {  	v1 =	vsel vm0, v4, v1;
	v4 =	vsel vm1, v5, v8;
	v7 =	vsel vm2, v14, v7;
	[tilespmem:s0+$0xC80] =	vst v6  }
0x98: {  	v0 =	vsel vm2, v0, v1;
	v1 =	vsel vm0, v3, v4;
	[tilespmem:s0+$0xD00] =	vst v7  }
0x99: {  	s19 =	sor.u32 $0x380, s17;
	[tilespmem:s0+$0xC00] =	vst v0;
	v0 =	vsel vm2, v2, v1  }
0x9a: {  	s17 =	simm.s32 $0x0;
	s20 =	simm.s32 $0xC00;
	[tilespmem:s19+$0xA00] =	vst v0  }
0x9b: {  	[hbm4b:s12+s17] =	stream.linear.scatter [tilespmem:s20], [sflag:$0x6], $0x200, $0x200038;
	[tilespmem:$0x2A00] =	vst v63  }
0x9c: {  	s21 =	sadd.s32 $0x80, s12;
	s1 =	simm.s32 $0x1000  }
0x9d: {  	[hbm4b:s21+s17] =	stream.linear.scatter [tilespmem:s1], [sflag:$0x6], $0x200, $0x200038;
	[tilespmem:$0x2A00] =	vst v63  }
0x9e: {  	s22 =	sadd.s32 $0x100, s12;
	s28 =	simm.s32 $0x1400  }
0x9f: {  	[hbm4b:s22+s17] =	stream.linear.scatter [tilespmem:s28], [sflag:$0x6], $0x200, $0x200038;
	[tilespmem:$0x2A00] =	vst v63  }
0xa0: {  	s29 =	sadd.s32 $0x180, s12;
	s30 =	simm.s32 $0x1800  }
0xa1: {  	[hbm4b:s29+s17] =	stream.linear.scatter [tilespmem:s30], [sflag:$0x6], $0x200, $0x200038;
	[tilespmem:$0x2A00] =	vst v63  }
0xa2: {  	_ =	swait.ge [sflag:s18], $0x200  }
0xa3: {  	[sflag:s18] =	ssyncset.done $0x0  }
0xa4: {  	[sflag:s18] =	ssyncadd.s32 $0xFFFFFE00  }
0xa5: {  	v0 =	vld [tilespmem:$0x600]  }
0xa6: {  	v6 =	vld [tilespmem:$0x610]  }
0xa7: {  	v7 =	vld [tilespmem:$0x620]  }
0xa8: {  	v1 =	vld [tilespmem:$0x630]  }
0xa9: {  	v9 =	vld [tilespmem:$0x680]  }
0xaa: {  	v8 =	vld [tilespmem:$0x690]  }
0xab: {  	v2 =	vld [tilespmem:$0x6A0]  }
0xac: {  	v10 =	vld [tilespmem:$0x6B0]  }
0xad: {  	v11 =	vld [tilespmem:$0x700]  }
0xae: {  	v5 =	vld [tilespmem:s17+$0x0]  }
0xaf: {  	v14 =	vld [tilespmem:$0x780]  }
0xb0: {  	v12 =	vld [tilespmem:$0x710]  }
0xb1: {  	v13 =	vld [tilespmem:$0x720]  }
0xb2: {  	v15 =	vld [tilespmem:$0x7A0]  }
0xb3: {  	v4 =	vld [tilespmem:$0x730];
	v16 =	vand.u32 $0xF, v5;
	v20 =	vshra.s32 v5, $0x4  }
0xb4: {  	s19 =	sand.u32 $0xC00, s17;
	v3 =	vld [tilespmem:$0x790];
	v18 =	vperm.xlane v6, v16;
	vm0 =	veq.s32 v20, $0x3;
	v17 =	vperm.xlane v14, v16  }
0xb5: {  	s20 =	simm.s32 $0x0;
	s21 =	simm.s32 $0x10;
	s22 =	simm.s32 $0x0;
	v5 =	vld [tilespmem:$0x7B0];
	vm1 =	veq.s32 v20, $0x2;
	v19 =	vperm.xlane v7, v16;
	v21 =	vperm.xlane v9, v16  }
.LBB2_6:
0xb6: {  	p0 =	sne.s32 s21, $0x1F0;
	v22 =	vperm.xlane v8, v16;
	v23 =	vperm.xlane v10, v16;
	s17 =	sadd.s32 $0x80, s17;
	s22 =	sadd.s32 $0x10, s22  }
0xb7: {  	vm2 =	veq.s32 v20, $0x1;
	v20 =	vperm.xlane v11, v16;
	v24 =	vperm.xlane v15, v16;
	s1 =	smov.u32 s21;
	s21 =	sadd.s32 $0x10, s21;
	s0 =	sand.u32 $0xC00, s17  }
0xb8: {  	v25 =	vperm.xlane v13, v16;
	v21 =	vsel vm2, v22, v21;
	v22 =	vperm.xlane v12, v16  }
0xb9: {  	v26 =	vperm.xlane v1, v16;
	v27 =	vperm.xlane v2, v16  }
0xba: {  	v28 =	vperm.xlane v0, v16;
	v20 =	vsel vm2, v22, v20;
	v22 =	vperm.xlane v4, v16  }
0xbb: {  	s28 =	sand.u32 $0x70, s20;
	s20 =	smov.u32 s1;
	v21 =	vsel vm1, v27, v21;
	v20 =	vsel vm1, v25, v20;
	v25 =	vperm.xlane v3, v16  }
0xbc: {  	s1 =	sor.u32 s28, s19;
	v18 =	vsel vm2, v18, v28;
	s19 =	smov.u32 s0;
	v16 =	vperm.xlane v5, v16;
	v20 =	vsel vm0, v22, v20  }
0xbd: {  	v18 =	vsel vm1, v19, v18;
	v19 =	vsel vm0, v23, v21;
	[tilespmem:s1+$0x1B00] =	vst v20;
	v17 =	vsel vm2, v25, v17  }
0xbe: {  	v18 =	vsel vm0, v26, v18;
	[tilespmem:s1+$0x1A80] =	vst v19;
	v17 =	vsel vm1, v24, v17  }
0xbf: {  	[tilespmem:s1+$0x1A00] =	vst v18;
	v16 =	vsel vm0, v16, v17  }
0xc0: {  	[tilespmem:s1+$0x1B80] =	vst v16  }
0xc1: {  	v17 =	vld [tilespmem:s22+$0x0];
	_ =	sdelay $0x2  }
.Ltmp2:
0xc2: {  	(pc) =	sbr.rel @p0 .LBB2_6-.Ltmp2, $4  }
0xc3: {  	_ = 	snop  }
0xc4: {  	v16 =	vand.u32 $0xF, v17;
	v20 =	vshra.s32 v17, $0x4  }
0xc5: {  	v18 =	vperm.xlane v6, v16;
	vm0 =	veq.s32 v20, $0x3;
	v17 =	vperm.xlane v14, v16  }
0xc6: {  	vm1 =	veq.s32 v20, $0x2;
	v19 =	vperm.xlane v7, v16;
	v21 =	vperm.xlane v9, v16  }
0xc7: {  	v6 =	vperm.xlane v8, v16  }
0xc8: {  	v7 =	vperm.xlane v10, v16;
	v8 =	vperm.xlane v11, v16  }
0xc9: {  	v9 =	vperm.xlane v15, v16;
	v10 =	vperm.xlane v12, v16  }
0xca: {  	v11 =	vperm.xlane v13, v16;
	v1 =	vperm.xlane v1, v16  }
0xcb: {  	vm2 =	veq.s32 v20, $0x1;
	v2 =	vperm.xlane v2, v16;
	v0 =	vperm.xlane v0, v16  }
0xcc: {  	v4 =	vperm.xlane v4, v16;
	v6 =	vsel vm2, v6, v21;
	v8 =	vsel vm2, v10, v8  }
0xcd: {  	s0 =	sand.u32 $0x70, s20;
	v3 =	vperm.xlane v3, v16;
	v2 =	vsel vm1, v2, v6;
	v6 =	vsel vm1, v11, v8  }
0xce: {  	v5 =	vperm.xlane v5, v16;
	s0 =	sor.u32 s0, s19;
	v0 =	vsel vm2, v18, v0;
	v4 =	vsel vm0, v4, v6  }
0xcf: {  	v3 =	vsel vm2, v3, v17;
	v0 =	vsel vm1, v19, v0;
	v2 =	vsel vm0, v7, v2;
	[tilespmem:s0+$0x1B00] =	vst v4  }
0xd0: {  	v0 =	vsel vm0, v1, v0;
	v1 =	vsel vm1, v9, v3;
	[tilespmem:s0+$0x1A80] =	vst v2  }
0xd1: {  	[tilespmem:s0+$0x1A00] =	vst v0;
	v0 =	vsel vm0, v5, v1  }
0xd2: {  	s17 =	simm.s32 $0x0;
	s20 =	simm.s32 $0x1A00;
	[tilespmem:s0+$0x1B80] =	vst v0  }
0xd3: {  	[hbm4b:s13+s17] =	stream.linear.scatter [tilespmem:s20], [sflag:$0x6], $0x200, $0x200038;
	[tilespmem:$0x2A00] =	vst v63  }
0xd4: {  	s21 =	sadd.s32 $0x80, s13;
	s1 =	simm.s32 $0x1E00  }
0xd5: {  	[hbm4b:s21+s17] =	stream.linear.scatter [tilespmem:s1], [sflag:$0x6], $0x200, $0x200038;
	[tilespmem:$0x2A00] =	vst v63  }
0xd6: {  	s22 =	sadd.s32 $0x100, s13;
	s28 =	simm.s32 $0x2200  }
0xd7: {  	[hbm4b:s22+s17] =	stream.linear.scatter [tilespmem:s28], [sflag:$0x6], $0x200, $0x200038;
	[tilespmem:$0x2A00] =	vst v63  }
0xd8: {  	s29 =	sadd.s32 $0x180, s13;
	s30 =	simm.s32 $0x2600  }
0xd9: {  	[hbm4b:s29+s17] =	stream.linear.scatter [tilespmem:s30], [sflag:$0x6], $0x200, $0x200038;
	[tilespmem:$0x2A00] =	vst v63  }
0xda: {  	_ =	swait.ge [sflag:s25], $0x200  }
0xdb: {  	[sflag:s25] =	ssyncset.done $0x0  }
0xdc: {  	[sflag:s25] =	ssyncadd.s32 $0xFFFFFE00  }
0xdd: {  	v0 =	vld [tilespmem:$0x800]  }
0xde: {  	v6 =	vld [tilespmem:$0x810]  }
0xdf: {  	v7 =	vld [tilespmem:$0x820]  }
0xe0: {  	v1 =	vld [tilespmem:$0x830]  }
0xe1: {  	v9 =	vld [tilespmem:$0x880]  }
0xe2: {  	v8 =	vld [tilespmem:$0x890]  }
0xe3: {  	v2 =	vld [tilespmem:$0x8A0]  }
0xe4: {  	v10 =	vld [tilespmem:$0x8B0]  }
0xe5: {  	v11 =	vld [tilespmem:$0x900]  }
0xe6: {  	v5 =	vld [tilespmem:s17+$0x0]  }
0xe7: {  	v14 =	vld [tilespmem:$0x980]  }
0xe8: {  	v12 =	vld [tilespmem:$0x910]  }
0xe9: {  	v13 =	vld [tilespmem:$0x920]  }
0xea: {  	v15 =	vld [tilespmem:$0x9A0]  }
0xeb: {  	v4 =	vld [tilespmem:$0x930];
	v16 =	vand.u32 $0xF, v5;
	v20 =	vshra.s32 v5, $0x4  }
0xec: {  	s19 =	sand.u32 $0xC00, s17;
	v3 =	vld [tilespmem:$0x990];
	v18 =	vperm.xlane v6, v16;
	vm0 =	veq.s32 v20, $0x3;
	v17 =	vperm.xlane v14, v16  }
0xed: {  	s20 =	simm.s32 $0x0;
	s21 =	simm.s32 $0x10;
	s22 =	simm.s32 $0x0;
	v5 =	vld [tilespmem:$0x9B0];
	vm1 =	veq.s32 v20, $0x2;
	v19 =	vperm.xlane v7, v16;
	v21 =	vperm.xlane v9, v16  }
.LBB2_8:
0xee: {  	p0 =	sne.s32 s21, $0x1F0;
	v22 =	vperm.xlane v8, v16;
	v23 =	vperm.xlane v10, v16;
	s17 =	sadd.s32 $0x80, s17;
	s22 =	sadd.s32 $0x10, s22  }
0xef: {  	vm2 =	veq.s32 v20, $0x1;
	v20 =	vperm.xlane v11, v16;
	v24 =	vperm.xlane v15, v16;
	s1 =	smov.u32 s21;
	s21 =	sadd.s32 $0x10, s21;
	s0 =	sand.u32 $0xC00, s17  }
0xf0: {  	v25 =	vperm.xlane v13, v16;
	v21 =	vsel vm2, v22, v21;
	v22 =	vperm.xlane v12, v16  }
0xf1: {  	v26 =	vperm.xlane v1, v16;
	v27 =	vperm.xlane v2, v16  }
0xf2: {  	v28 =	vperm.xlane v0, v16;
	v20 =	vsel vm2, v22, v20;
	v22 =	vperm.xlane v4, v16  }
0xf3: {  	s28 =	sand.u32 $0x70, s20;
	s20 =	smov.u32 s1;
	v21 =	vsel vm1, v27, v21;
	v20 =	vsel vm1, v25, v20;
	v25 =	vperm.xlane v3, v16  }
0xf4: {  	s1 =	sor.u32 s28, s19;
	v18 =	vsel vm2, v18, v28;
	s19 =	smov.u32 s0;
	v16 =	vperm.xlane v5, v16;
	v20 =	vsel vm0, v22, v20  }
0xf5: {  	v18 =	vsel vm1, v19, v18;
	v19 =	vsel vm0, v23, v21;
	[tilespmem:s1+$0x1D00] =	vst v20;
	v17 =	vsel vm2, v25, v17  }
0xf6: {  	v18 =	vsel vm0, v26, v18;
	[tilespmem:s1+$0x1C80] =	vst v19;
	v17 =	vsel vm1, v24, v17  }
0xf7: {  	[tilespmem:s1+$0x1C00] =	vst v18;
	v16 =	vsel vm0, v16, v17  }
0xf8: {  	[tilespmem:s1+$0x1D80] =	vst v16  }
0xf9: {  	v17 =	vld [tilespmem:s22+$0x0];
	_ =	sdelay $0x2  }
.Ltmp3:
0xfa: {  	(pc) =	sbr.rel @p0 .LBB2_8-.Ltmp3, $4  }
0xfb: {  	_ = 	snop  }
0xfc: {  	v16 =	vand.u32 $0xF, v17;
	v20 =	vshra.s32 v17, $0x4  }
0xfd: {  	v18 =	vperm.xlane v6, v16;
	vm0 =	veq.s32 v20, $0x3;
	v17 =	vperm.xlane v14, v16  }
0xfe: {  	vm1 =	veq.s32 v20, $0x2;
	v19 =	vperm.xlane v7, v16;
	v21 =	vperm.xlane v9, v16  }
0xff: {  	v6 =	vperm.xlane v8, v16  }
0x100: {  	v7 =	vperm.xlane v10, v16;
	v58 =	vperm.xlane v11, v16  }
0x101: {  	v9 =	vperm.xlane v15, v16;
	v59 =	vperm.xlane v12, v16  }
0x102: {  	v60 =	vperm.xlane v13, v16;
	v1 =	vperm.xlane v1, v16  }
0x103: {  	vm2 =	veq.s32 v20, $0x1;
	v2 =	vperm.xlane v2, v16;
	v0 =	vperm.xlane v0, v16  }
0x104: {  	v4 =	vperm.xlane v4, v16;
	v3 =	vperm.xlane v3, v16;
	v8 =	vsel vm2, v59, v58  }
0x105: {  	s0 =	sand.u32 $0x70, s20;
	v5 =	vperm.xlane v5, v16;
	v6 =	vsel vm2, v6, v21;
	v61 =	vsel vm1, v60, v8  }
0x106: {  	s0 =	sor.u32 s0, s19;
	v0 =	vsel vm2, v18, v0;
	v2 =	vsel vm1, v2, v6;
	v4 =	vsel vm0, v4, v61  }
0x107: {  	v3 =	vsel vm2, v3, v17;
	v0 =	vsel vm1, v19, v0;
	v2 =	vsel vm0, v7, v2;
	[tilespmem:s0+$0x1D00] =	vst v4  }
0x108: {  	v62 =	vsel vm1, v9, v3;
	v0 =	vsel vm0, v1, v0;
	[tilespmem:s0+$0x1C80] =	vst v2  }
0x109: {  	v63 =	vsel vm0, v5, v62;
	[tilespmem:s0+$0x1C00] =	vst v0  }
0x10a: {  	s20 =	simm.s32 $0x1C00;
	[tilespmem:s0+$0x1D80] =	vst v63  }
0x10b: {  	[hbm4b:s14+s3] =	stream.linear.scatter [tilespmem:s20], [sflag:$0x6], $0x200, $0x200038;
	[tilespmem:$0x2A00] =	vst v63  }
0x10c: {  	s21 =	sadd.s32 $0x80, s14;
	s1 =	simm.s32 $0x2000  }
0x10d: {  	[hbm4b:s21+s3] =	stream.linear.scatter [tilespmem:s1], [sflag:$0x6], $0x200, $0x200038;
	[tilespmem:$0x2A00] =	vst v63  }
0x10e: {  	s22 =	sadd.s32 $0x100, s14;
	s28 =	simm.s32 $0x2400  }
0x10f: {  	[hbm4b:s22+s3] =	stream.linear.scatter [tilespmem:s28], [sflag:$0x6], $0x200, $0x200038;
	[tilespmem:$0x2A00] =	vst v63  }
0x110: {  	s29 =	sadd.s32 $0x180, s14;
	s30 =	simm.s32 $0x2800  }
0x111: {  	[hbm4b:s29+s3] =	stream.linear.scatter [tilespmem:s30], [sflag:$0x6], $0x200, $0x200038;
	[tilespmem:$0x2A00] =	vst v63  }
0x112: {  	_ =	strace $0x90000049  }
0x113: {  	_ =	strace $0x8000004A  }
0x114: {  	_ =	swait.ge [sflag:s2], $0x800  }
0x115: {  	[sflag:s2] =	ssyncset.done $0x0  }
0x116: {  	[sflag:s2] =	ssyncadd.s32 $0xFFFFF800  }
0x117: {  	_ =	swait.ge [sflag:s2], $0x800  }
0x118: {  	[sflag:s2] =	ssyncset.done $0x0  }
0x119: {  	[sflag:s2] =	ssyncadd.s32 $0xFFFFF800  }
0x11a: {  	s16 =	sadd.s32 $0x1, s16;
	_ =	swait.ge [sflag:s2], $0x800  }
0x11b: {  	p0 =	sne.s32 s16, s15;
	[sflag:s2] =	ssyncset.done $0x0  }
.Ltmp4:
0x11c: {  	[sflag:s2] =	ssyncadd.s32 $0xFFFFF800;
	(pc) =	sbr.rel @p0 .LBB2_1-.Ltmp4, $4  }
0x11d: {  	_ =	swait.ge [sflag:s2], $0x800  }
0x11e: {  	[sflag:s2] =	ssyncset.done $0x0  }
0x11f: {  	[sflag:s2] =	ssyncadd.s32 $0xFFFFF800  }
0x120: {  	_ =	strace $0x9000004A  }
0x121: {  	_ =	sfence.sel $0x180000  }
0x122: {  	[bflag:$0x0] =	sbarrier.arrive $0xFFFF  }
0x123: {  	_ =	strace $0x90000047  }
0x124: {  	s0 =	stileid.u32;
	[bflag:$0x2] =	sbarrier.arrive $0xFFFF  }
0x125: {  	p0 =	sne.s32 s0, $0x0;
	s0 =	rddreg [dreg:$0x3]  }
0x126: {  	s0 =	sadd.s32 @!p0 $0x100000, s0  }
0x127: {  	[sflag:s0] =	ssyncadd.tile.s32 @!p0 $0x1;
	_ =	shalt  }
.Lfunc_end2:
_tile_overlayer_lowered:
.L_overlay_start_2:
0x128: {  	(tag) =	ssettag $0x2  }
0x129: {  	s0 =	rddreg [dreg:$0x0];
	s2 =	stileid.u32  }
0x12a: {  	s1 =	rddreg [dreg:$0x1];
	p0 =	sne.s32 s2, $0x0  }
0x12b: {  	s3 =	rddreg [dreg:$0x2];
	[bflag:$0x3] =	sbarrier.arrive $0xFFFF;
	s2 =	simm.s32 @!p0 $0x1C07  }
0x12c: {  	[timem:s3], [sflag:s2] =	dma.local @!p0 [hbm:s0], s1  }
0x12d: {  	s0 =	simm.s32 @!p0 $0x7  }
0x12e: {  	_ =	swait.ge @!p0 [sflag:s0], s1  }
0x12f: {  	s1 =	ssub.s32 @!p0 $0x0, s1;
	[sflag:s0] =	ssyncset.done @!p0 $0x0  }
0x130: {  	[sflag:s0] =	ssyncadd.s32 @!p0 s1  }
0x131: {  	[bflag:$0x3] =	sbarrier.arrive $0xFFFF  }
0x132: {  	_ =	shalt  }

</sc_bundles>
